<compile_context>
chip_gen: v7x
topology: tpu7x:2x2x1
jax: 0.10.2.dev20260603
libtpu: 0.0.44.dev20260713+nightly
codegen_flags: <defaults>
</compile_context>

<pallas_src>
import math

import functools

import jax
import jax.numpy as jnp
from jax import lax
from jax.experimental import pallas as pl
from jax.experimental.pallas import tpu as pltpu
from jax.experimental.pallas import tpu_sc as plsc

B, S, D, V, H = 2, 2048, 1024, 32000, 16
BLOCK, NA = 16, 32
GAMMA = 7.0
MASK_ID = V - 1
EPS = 1e-6
T = NA * BLOCK
DH = D // H
HALF = DH // 2
ROWS = B * T
SCALE = 1.0 / math.sqrt(DH)
LOG2E = math.log2(math.e)
QSCALE = SCALE * LOG2E
NEG = -1e30

_INTERPRET = False

f32 = jnp.float32
bf16 = jnp.bfloat16


def _cos_sin(pos):
    inv = jnp.exp(jnp.arange(HALF, dtype=f32) * (-math.log(10000.0) / HALF))
    ang = pos.astype(f32)[:, None] * inv[None, :]
    return jnp.cos(ang), jnp.sin(ang)


def _expand(tab):
    return pltpu.repeat(tab, D // HALF, axis=1)


def _rot_weight(w):
    wr = w.reshape(D, H, 2, HALF)
    return jnp.concatenate([-wr[:, :, 1:2, :], wr[:, :, 0:1, :]], axis=2).reshape(D, D)


_NW = 32
_RPW = ROWS // _NW


def _sc_gather(embed_hbm, lmw_hbm, dids, labs):
    mesh = plsc.VectorSubcoreMesh(core_axis_name="c", subcore_axis_name="s")

    @functools.partial(
        pl.kernel, mesh=mesh,
        out_type=[jax.ShapeDtypeStruct((ROWS, D), f32),
                  jax.ShapeDtypeStruct((ROWS, D), f32)],
        scratch_types=[pltpu.VMEM((_RPW,), jnp.int32),
                       pltpu.VMEM((_RPW, D), f32),
                       pltpu.VMEM((_RPW,), jnp.int32),
                       pltpu.VMEM((_RPW, D), f32),
                       pltpu.SemaphoreType.DMA,
                       pltpu.SemaphoreType.DMA],
    )
    def k(emb_t, lmw_t, dids_h, labs_h, emb_o, wlab_o,
          idx1, rows1, idx2, rows2, sem1, sem2):
        wid = lax.axis_index("s") * 2 + lax.axis_index("c")
        base = wid * _RPW
        pltpu.sync_copy(dids_h.at[pl.ds(base, _RPW)], idx1)
        pltpu.sync_copy(labs_h.at[pl.ds(base, _RPW)], idx2)
        c1 = pltpu.async_copy(emb_t.at[idx1], rows1, sem1)
        c2 = pltpu.async_copy(lmw_t.at[idx2], rows2, sem2)
        c1.wait()
        c2.wait()
        pltpu.sync_copy(rows1, emb_o.at[pl.ds(base, _RPW)])
        pltpu.sync_copy(rows2, wlab_o.at[pl.ds(base, _RPW)])

    return k(embed_hbm, lmw_hbm, dids, labs)


_TS = 256


def _ctx_kv_body(h0, h1, h2, wfc, wk, wkr, wv, cs, sn, k_out, v_out):
    x0 = h0[0].astype(bf16)
    x1 = h1[0].astype(bf16)
    x2 = h2[0].astype(bf16)
    ctx = jnp.dot(x0, wfc[0:D].astype(bf16), preferred_element_type=f32)
    ctx += jnp.dot(x1, wfc[D:2 * D].astype(bf16), preferred_element_type=f32)
    ctx += jnp.dot(x2, wfc[2 * D:3 * D].astype(bf16), preferred_element_type=f32)
    ctx = ctx.astype(bf16)
    cos = _expand(cs[...])
    sin = _expand(sn[...])
    k = jnp.dot(ctx, wk[...].astype(bf16), preferred_element_type=f32)
    kp = jnp.dot(ctx, wkr[...], preferred_element_type=f32)
    k_out[0] = (k * cos + kp * sin).astype(bf16)
    v_out[0] = jnp.dot(ctx, wv[...].astype(bf16), preferred_element_type=f32).astype(bf16)


def _ctx_kv(h0, h1, h2, wfc_bf, wk_bf, wkr_bf, wv_bf, cs, sn):
    hspec = pl.BlockSpec((1, _TS, D), lambda b, s: (b, s, 0))
    wspec3 = pl.BlockSpec((3 * D, D), lambda b, s: (0, 0))
    wspec = pl.BlockSpec((D, D), lambda b, s: (0, 0))
    tspec = pl.BlockSpec((_TS, HALF), lambda b, s: (s, 0))
    ospec = pl.BlockSpec((1, _TS, D), lambda b, s: (b, s, 0))
    out = jax.ShapeDtypeStruct((B, S, D), bf16)
    return pl.pallas_call(
        _ctx_kv_body,
        grid=(B, S // _TS),
        in_specs=[hspec, hspec, hspec, wspec3, wspec, wspec, wspec, tspec, tspec],
        out_specs=[ospec, ospec],
        out_shape=[out, out],
        interpret=_INTERPRET,
    )(h0, h1, h2, wfc_bf, wk_bf, wkr_bf, wv_bf, cs, sn)


def _qkv_body(emb, wq, wqr, wk, wkr, wv, cs, sn, q_out, k_out, v_out):
    x = emb[...].astype(bf16)
    cos = _expand(cs[...])
    sin = _expand(sn[...])
    q = jnp.dot(x, wq[...].astype(bf16), preferred_element_type=f32)
    qp = jnp.dot(x, wqr[...], preferred_element_type=f32)
    q_out[...] = ((q * cos + qp * sin) * QSCALE).astype(bf16)
    k = jnp.dot(x, wk[...].astype(bf16), preferred_element_type=f32)
    kp = jnp.dot(x, wkr[...], preferred_element_type=f32)
    k_out[...] = (k * cos + kp * sin).astype(bf16)
    v_out[...] = jnp.dot(x, wv[...].astype(bf16), preferred_element_type=f32).astype(bf16)


_QR = 512


def _qkv(emb, wq_bf, wqr_bf, wk_bf, wkr_bf, wv_bf, cs, sn):
    out = jax.ShapeDtypeStruct((ROWS, D), bf16)
    rspec = pl.BlockSpec((_QR, D), lambda r: (r, 0))
    wspec = pl.BlockSpec((D, D), lambda r: (0, 0))
    tspec = pl.BlockSpec((_QR, HALF), lambda r: (r, 0))
    return pl.pallas_call(
        _qkv_body,
        grid=(ROWS // _QR,),
        in_specs=[rspec] + [wspec] * 5 + [tspec, tspec],
        out_specs=[rspec] * 3,
        out_shape=[out, out, out],
        interpret=_INTERPRET,
    )(emb, wq_bf, wqr_bf, wk_bf, wkr_bf, wv_bf, cs, sn)


_HP = 4


def _attn_body(q, kc, vc, kd, vd, anq, out, cb_s, db_s):
    h = pl.program_id(1)

    @pl.when(h == 0)
    def _bias():
        ccol = lax.broadcasted_iota(jnp.int32, (T, S), 1).astype(f32)
        cb_s[...] = jnp.where(ccol < anq[0], 0.0, NEG)
        rblk = lax.broadcasted_iota(jnp.int32, (T, T), 0) // BLOCK
        cblk = lax.broadcasted_iota(jnp.int32, (T, T), 1) // BLOCK
        db_s[...] = jnp.where(rblk == cblk, 0.0, NEG)

    ctx_bias = cb_s[...]
    d_bias = db_s[...]
    outs = []
    for i in range(_HP):
        sl = slice(i * DH, (i + 1) * DH)
        qh = q[0][:, sl]
        pc = jnp.exp2(jax.lax.dot_general(
            qh, kc[0][:, sl], (((1,), (1,)), ((), ())),
            preferred_element_type=f32) + ctx_bias)
        pd = jnp.exp2(jax.lax.dot_general(
            qh, kd[0][:, sl], (((1,), (1,)), ((), ())),
            preferred_element_type=f32) + d_bias)
        den = jnp.sum(pc, axis=1, keepdims=True) + jnp.sum(pd, axis=1, keepdims=True)
        oh = jnp.dot(pc.astype(bf16), vc[0][:, sl], preferred_element_type=f32)
        oh += jnp.dot(pd.astype(bf16), vd[0][:, sl], preferred_element_type=f32)
        outs.append((oh / den).astype(bf16))
    out[0] = jnp.concatenate(outs, axis=1)


def _attn(q, kc, vc, kd, vd, anq):
    LW = _HP * DH
    dspec = pl.BlockSpec((1, T, LW), lambda b, h: (b, 0, h))
    cspec = pl.BlockSpec((1, S, LW), lambda b, h: (b, 0, h))
    aspec = pl.BlockSpec((1, T, 1), lambda b, h: (b, 0, 0))
    return pl.pallas_call(
        _attn_body,
        grid=(B, H // _HP),
        in_specs=[dspec, cspec, cspec, dspec, dspec, aspec],
        out_specs=dspec,
        out_shape=jax.ShapeDtypeStruct((B, T, D), bf16),
        scratch_shapes=[pltpu.VMEM((T, S), f32), pltpu.VMEM((T, T), f32)],
        interpret=_INTERPRET,
    )(q, kc, vc, kd, vd, anq)


_FT = 1024
_NF = 4 * D // _FT


def _mlp_body(attn, emb, wo, w1, w2, nw, out, h_s, acc):
    j = pl.program_id(0)

    @pl.when(j == 0)
    def _init():
        h_s[...] = emb[...] + jnp.dot(attn[...], wo[...].astype(bf16),
                                      preferred_element_type=f32)
        acc[...] = jnp.zeros((ROWS, D), f32)

    hb = h_s[...].astype(bf16)
    a1 = jnp.maximum(jnp.dot(hb, w1[...].astype(bf16),
                             preferred_element_type=f32), 0.0)
    acc[...] += jnp.dot(a1.astype(bf16), w2[...].astype(bf16),
                        preferred_element_type=f32)

    @pl.when(j == _NF - 1)
    def _fin():
        h2 = h_s[...] + acc[...]
        rms = lax.rsqrt(jnp.mean(h2 * h2, axis=1, keepdims=True) + EPS)
        out[...] = (h2 * rms * nw[...]).astype(bf16)


def _mlp(attn, emb, wo_bf, w1_bf, w2_bf, nw):
    full = pl.BlockSpec((ROWS, D), lambda j: (0, 0))
    wspec = pl.BlockSpec((D, D), lambda j: (0, 0))
    w1spec = pl.BlockSpec((D, _FT), lambda j: (0, j))
    w2spec = pl.BlockSpec((_FT, D), lambda j: (j, 0))
    nwspec = pl.BlockSpec((1, D), lambda j: (0, 0))
    return pl.pallas_call(
        _mlp_body,
        grid=(_NF,),
        in_specs=[full, full, wspec, w1spec, w2spec, nwspec],
        out_specs=full,
        out_shape=jax.ShapeDtypeStruct((ROWS, D), bf16),
        scratch_shapes=[pltpu.VMEM((ROWS, D), f32), pltpu.VMEM((ROWS, D), f32)],
        interpret=_INTERPRET,
    )(attn, emb, wo_bf, w1_bf, w2_bf, nw)


_VT = 1280
_NV = V // _VT
assert _NV * _VT == V


def _lm_body(hn, hn2, lmw, wlab, w, valid, loss, acc_o, s_s, bv_s):
    j = pl.program_id(0)

    @pl.when(j == 0)
    def _init():
        s_s[...] = jnp.zeros((ROWS, 1), f32)
        bv_s[...] = jnp.full((ROWS, 1), NEG, f32)

    x2 = hn2[...]
    wt = lmw[...].astype(bf16)
    lg2 = jax.lax.dot_general(x2, wt, (((1,), (1,)), ((), ())),
                              preferred_element_type=f32)
    s_s[...] += jnp.sum(jnp.exp2(lg2), axis=1, keepdims=True)
    bv_s[...] = jnp.maximum(bv_s[...], jnp.max(lg2, axis=1, keepdims=True))

    @pl.when(j == _NV - 1)
    def _fin():
        x = hn[...]
        wl = wlab[...]
        ll = jnp.sum(x.astype(f32) * wl, axis=1, keepdims=True)
        ll2 = jnp.sum(x2.astype(f32) * wl, axis=1, keepdims=True)
        nll = jnp.log(s_s[...]) - ll
        ww = w[...]
        num_l = jnp.sum(ww * nll)
        den_l = jnp.maximum(jnp.sum(ww), 1e-6)
        match = (ll2 >= bv_s[...] - 1e-3).astype(f32)
        vv = valid[...]
        num_a = jnp.sum(vv * match)
        den_a = jnp.maximum(jnp.sum(vv), 1.0)
        loss[...] = (num_l / den_l).reshape(1, 1)
        acc_o[...] = (num_a / den_a).reshape(1, 1)


def _lm_loss(hn, lm_head_weight, wlab, w, valid):
    full = pl.BlockSpec((ROWS, D), lambda j: (0, 0))
    wspec = pl.BlockSpec((_VT, D), lambda j: (j, 0))
    cspec = pl.BlockSpec((ROWS, 1), lambda j: (0, 0))
    sspec = pl.BlockSpec((1, 1), lambda j: (0, 0))
    scal = jax.ShapeDtypeStruct((1, 1), f32)
    hn2 = (hn.astype(f32) * LOG2E).astype(bf16)
    return pl.pallas_call(
        _lm_body,
        grid=(_NV,),
        in_specs=[full, full, wspec, full, cspec, cspec],
        out_specs=[sspec, sspec],
        out_shape=[scal, scal],
        scratch_shapes=[pltpu.VMEM((ROWS, 1), f32)] * 2,
        interpret=_INTERPRET,
    )(hn, hn2, lm_head_weight, wlab, w, valid)


def kernel(input_ids, hidden_states_0, hidden_states_1, hidden_states_2,
           loss_mask, lm_head_weight, norm_weight, embed, W_fc, Wq, Wk, Wv,
           Wo, W1, W2):
    valid_end = S - BLOCK
    g = jax.random.gumbel(jax.random.key(42), (B, valid_end))
    sc = jnp.where(loss_mask[:, :valid_end] > 0, g, -1e9)
    _, idx = jax.lax.top_k(sc, NA)
    anchors = jnp.sort(idx, axis=-1)
    offsets = jnp.arange(BLOCK)
    all_pos = (anchors[:, :, None] + offsets[None, None, :]).reshape(B, T)
    tokens = jnp.take_along_axis(input_ids, all_pos, axis=1)
    pos_in_block = jnp.arange(T) % BLOCK
    is_anchor = (pos_in_block == 0)[None, :]
    draft_ids = jnp.where(is_anchor, tokens, MASK_ID)
    labels = jnp.where(is_anchor, -100, tokens)
    emb, wlab = _sc_gather(embed, lm_head_weight, draft_ids.reshape(ROWS),
                           jnp.maximum(labels, 0).reshape(ROWS))

    kk = jnp.arange(BLOCK, dtype=f32)
    decay = jnp.where(kk == 0, 0.0, jnp.exp(-(kk - 1.0) / GAMMA))
    valid_col = (labels != -100).reshape(ROWS, 1).astype(f32)
    w_col = decay[pos_in_block][None, :].repeat(B, 0).reshape(ROWS, 1) * valid_col
    anq = jnp.repeat(anchors, BLOCK, axis=1).reshape(B, T, 1).astype(f32)
    ctx_cos, ctx_sin = _cos_sin(jnp.arange(S))
    d_cos, d_sin = _cos_sin(all_pos.reshape(ROWS))

    wqr_bf = _rot_weight(Wq).astype(bf16)
    wkr_bf = _rot_weight(Wk).astype(bf16)
    nw = norm_weight.reshape(1, D)

    k_ctx, v_ctx = _ctx_kv(hidden_states_0, hidden_states_1, hidden_states_2,
                           W_fc, Wk, wkr_bf, Wv, ctx_cos, ctx_sin)
    q, k_d, v_d = _qkv(emb, Wq, wqr_bf, Wk, wkr_bf, Wv, d_cos, d_sin)
    attn = _attn(q.reshape(B, T, D), k_ctx, v_ctx,
                 k_d.reshape(B, T, D), v_d.reshape(B, T, D), anq)
    hn = _mlp(attn.reshape(ROWS, D), emb, Wo, W1, W2, nw)
    loss, acc = _lm_loss(hn, lm_head_weight, wlab, w_col, valid_col)
    return (loss.reshape(()), acc.reshape(()))

# --- scband reference (transcript-rebuilt; emitter-appended) ---
"""Pipeline reference for scband-dflash-model-50525995270366 (READ-ONLY COPY).

The authoritative reference and input builder live on the scoring server;
editing this copy changes nothing except your own understanding.
"""

import jax, jax.numpy as jnp
import numpy as np
import math

B, S, D, V, H = 2, 2048, 1024, 32000, 16
BLOCK, NA = 16, 32
GAMMA = 7.0
MASK_ID = V - 1
EPS = 1e-6
T = NA * BLOCK


def setup_inputs(seed: int = 0):
    key = jax.random.key(seed)
    ks = jax.random.split(key, 16)
    inp = {}
    inp['input_ids'] = jax.random.randint(ks[0], (B, S), 0, V)
    inp['hidden_states_0'] = jax.random.normal(ks[1], (B, S, D), dtype=jnp.float32)
    inp['hidden_states_1'] = jax.random.normal(ks[2], (B, S, D), dtype=jnp.float32)
    inp['hidden_states_2'] = jax.random.normal(ks[3], (B, S, D), dtype=jnp.float32)
    inp['loss_mask'] = jnp.ones((B, S), dtype=jnp.int32)
    inp['lm_head_weight'] = jax.random.normal(ks[4], (V, D), dtype=jnp.float32) * 0.02
    inp['norm_weight'] = jnp.ones((D,), dtype=jnp.float32)
    inp['embed'] = jax.random.normal(ks[5], (V, D), dtype=jnp.float32) * 0.02
    inp['W_fc'] = jax.random.normal(ks[6], (3 * D, D), dtype=jnp.float32) * 0.02
    inp['Wq'] = jax.random.normal(ks[7], (D, D), dtype=jnp.float32) * 0.02
    inp['Wk'] = jax.random.normal(ks[8], (D, D), dtype=jnp.float32) * 0.02
    inp['Wv'] = jax.random.normal(ks[9], (D, D), dtype=jnp.float32) * 0.02
    inp['Wo'] = jax.random.normal(ks[10], (D, D), dtype=jnp.float32) * 0.02
    inp['W1'] = jax.random.normal(ks[11], (D, 4 * D), dtype=jnp.float32) * 0.02
    inp['W2'] = jax.random.normal(ks[12], (4 * D, D), dtype=jnp.float32) * 0.02
    return inp


def _rope(x, pos):
    dh = x.shape[-1]
    half = dh // 2
    inv = 1.0 / (10000.0 ** (jnp.arange(half, dtype=jnp.float32) * 2.0 / dh))
    ang = pos[..., None].astype(jnp.float32) * inv
    cos = jnp.cos(ang)[:, :, None, :]
    sin = jnp.sin(ang)[:, :, None, :]
    x1, x2 = x[..., :half], x[..., half:]
    return jnp.concatenate([x1 * cos - x2 * sin, x1 * sin + x2 * cos], axis=-1)


def reference(input_ids, hidden_states_0, hidden_states_1, hidden_states_2, loss_mask, lm_head_weight, norm_weight, embed, W_fc, Wq, Wk, Wv, Wo, W1, W2):
    dh = D // H
    # --- sample anchor positions (gumbel top-k over valid positions) ---
    valid_end = S - BLOCK
    g = jax.random.gumbel(jax.random.key(42), (B, valid_end))
    sc = jnp.where(loss_mask[:, :valid_end] > 0, g, -1e9)
    _, idx = jax.lax.top_k(sc, NA)
    anchors = jnp.sort(idx, axis=-1)  # [B, NA]
    # --- prepare noise input (anchor + MASK tokens) ---
    offsets = jnp.arange(BLOCK)
    all_pos = (anchors[:, :, None] + offsets[None, None, :]).reshape(B, T)
    in_bounds = all_pos < S
    gidx = jnp.minimum(all_pos, S - 1)
    all_tokens = jnp.take_along_axis(input_ids, gidx, axis=1)
    pos_in_block = jnp.arange(T) % BLOCK
    is_anchor = (pos_in_block == 0)[None, :]
    draft_ids = jnp.where(is_anchor, all_tokens, MASK_ID)
    labels = jnp.where((~is_anchor) & in_bounds, all_tokens, -100)
    # --- position ids ---
    ctx_pos = jnp.broadcast_to(jnp.arange(S)[None, :], (B, S))
    draft_pos = all_pos
    # --- draft model: context projection + one block-causal attention layer ---
    ctx = jnp.concatenate([hidden_states_0, hidden_states_1, hidden_states_2], axis=-1) @ W_fc
    emb = jnp.take(embed, draft_ids, axis=0)
    q = _rope((emb @ Wq).reshape(B, T, H, dh), draft_pos)
    k_ctx = _rope((ctx @ Wk).reshape(B, S, H, dh), ctx_pos)
    k_d = _rope((emb @ Wk).reshape(B, T, H, dh), draft_pos)
    v_ctx = (ctx @ Wv).reshape(B, S, H, dh)
    v_d = (emb @ Wv).reshape(B, T, H, dh)
    k = jnp.concatenate([k_ctx, k_d], axis=1)
    v = jnp.concatenate([v_ctx, v_d], axis=1)
    # --- DFlash mask ---
    q_idx = jnp.arange(T)
    kv_idx = jnp.arange(S + T)
    q_block = q_idx // BLOCK
    anchor_pos = jnp.take(anchors, q_block, axis=1)  # [B, T]
    is_context = kv_idx < S
    context_visible = is_context[None, None, :] & (kv_idx[None, None, :] < anchor_pos[:, :, None])
    kv_block = (kv_idx - S) // BLOCK
    draft_visible = (kv_idx[None, None, :] >= S) & (q_block[None, :, None] == kv_block[None, None, :])
    mask = context_visible | draft_visible  # [B, T, S+T]
    # --- attention ---
    logits = jnp.einsum('bqhd,bkhd->bhqk', q, k) / math.sqrt(dh)
    logits = jnp.where(mask[:, None, :, :], logits, -1e30)
    p = jax.nn.softmax(logits, axis=-1)
    attn = jnp.einsum('bhqk,bkhd->bqhd', p, v).reshape(B, T, D) @ Wo
    h = emb + attn
    h = h + jax.nn.relu(h @ W1) @ W2
    # --- RMSNorm + LM head ---
    h = h * jax.lax.rsqrt(jnp.mean(h * h, axis=-1, keepdims=True) + EPS) * norm_weight
    lm_logits = h @ lm_head_weight.T
    # --- decay-weighted CE loss ---
    logp = jax.nn.log_softmax(lm_logits, axis=-1)
    lbl = jnp.maximum(labels, 0)
    nll = -jnp.take_along_axis(logp, lbl[..., None], axis=-1)[..., 0]
    kk = jnp.arange(BLOCK, dtype=jnp.float32)
    decay = jnp.where(kk == 0, 0.0, jnp.exp(-(kk - 1.0) / GAMMA))
    w = decay[pos_in_block][None, :] * (labels != -100).astype(jnp.float32)
    loss = jnp.sum(w * nll) / jnp.maximum(jnp.sum(w), 1e-6)
    pred = jnp.argmax(lm_logits, axis=-1)
    valid = (labels != -100).astype(jnp.float32)
    acc = jnp.sum(valid * (pred == labels).astype(jnp.float32)) / jnp.maximum(jnp.sum(valid), 1.0)
    return (loss, acc)

if __name__ == "__main__":
    import jax
    _d = setup_inputs()
    print(jax.jit(kernel)(*tuple(_d.values())))

</pallas_src>

<mosaic_0001>
#map = affine_map<(d0, d1) -> (0, 0)>
#map1 = affine_map<(d0, d1) -> (0)>
module attributes {stable_mosaic.version = 14 : i64} {
  func.func @k(%arg0: i32, %arg1: i32, %arg2: memref<32000x1024xf32, #tpu.memory_space<hbm>>, %arg3: memref<32000x1024xf32, #tpu.memory_space<hbm>>, %arg4: memref<1024xi32, #tpu.memory_space<hbm>>, %arg5: memref<1024xi32, #tpu.memory_space<hbm>>, %arg6: memref<1024x1024xf32, #tpu.memory_space<hbm>>, %arg7: memref<1024x1024xf32, #tpu.memory_space<hbm>>, %arg8: memref<32xi32, #tpu.memory_space<vmem>>, %arg9: memref<32x1024xf32, #tpu.memory_space<vmem>>, %arg10: memref<32xi32, #tpu.memory_space<vmem>>, %arg11: memref<32x1024xf32, #tpu.memory_space<vmem>>, %arg12: memref<!tpu.dma_semaphore, #tpu.memory_space<semaphore_mem>>, %arg13: memref<!tpu.dma_semaphore, #tpu.memory_space<semaphore_mem>>) attributes {dimension_semantics = [#tpu.dimension_semantics<core_parallel>, #tpu.dimension_semantics<subcore_parallel>], iteration_bounds = array<i64: 2, 16>, scalar_prefetch = 0 : i64, scratch_operands = 6 : i64, tpu.core_type = #tpu.core_type<sc_vector_subcore>, window_params = [{transform_indices = #map}, {transform_indices = #map}, {transform_indices = #map1}, {transform_indices = #map1}, {transform_indices = #map}, {transform_indices = #map}]} {
    %mul3A = arith.constant 2 : i32
    %mul3A_0 = arith.muli %arg1, %mul3A : i32
    %add3A = arith.addi %mul3A_0, %arg0 : i32
    %mul3A_1 = arith.constant 32 : i32
    %mul3A_2 = arith.muli %add3A, %mul3A_1 : i32
    "tpu.region"() ({
      %run_scoped3A = tpu.sem_alloc : memref<!tpu.dma_semaphore, #tpu.memory_space<semaphore_mem>>
      %dma_start3A_13 = tpu.memref_slice %arg4[%mul3A_2] : memref<1024xi32, #tpu.memory_space<hbm>> -> memref<32xi32, #tpu.memory_space<hbm>>
      %dma_start3A_14 = tpu.memref_slice %arg4[%mul3A_2] : memref<1024xi32, #tpu.memory_space<hbm>> -> memref<32xi32, #tpu.memory_space<hbm>>
      tpu.enqueue_dma source(%dma_start3A_14 : memref<32xi32, #tpu.memory_space<hbm>>) target(%arg8 : memref<32xi32, #tpu.memory_space<vmem>>) target_semaphore(%run_scoped3A : memref<!tpu.dma_semaphore, #tpu.memory_space<semaphore_mem>>)
      %dma_wait3A_15 = tpu.memref_slice %arg4[%mul3A_2] : memref<1024xi32, #tpu.memory_space<hbm>> -> memref<32xi32, #tpu.memory_space<hbm>>
      %dma_wait3A_16 = tpu.memref_slice %arg4[%mul3A_2] : memref<1024xi32, #tpu.memory_space<hbm>> -> memref<32xi32, #tpu.memory_space<hbm>>
      tpu.wait_dma2 semaphore(%run_scoped3A : memref<!tpu.dma_semaphore, #tpu.memory_space<semaphore_mem>>) src(%dma_wait3A_16 : memref<32xi32, #tpu.memory_space<hbm>>) dst(%arg8 : memref<32xi32, #tpu.memory_space<vmem>>)
      tpu.yield
    }) : () -> ()
    "tpu.region"() ({
      %run_scoped3A = tpu.sem_alloc : memref<!tpu.dma_semaphore, #tpu.memory_space<semaphore_mem>>
      %dma_start3A_13 = tpu.memref_slice %arg5[%mul3A_2] : memref<1024xi32, #tpu.memory_space<hbm>> -> memref<32xi32, #tpu.memory_space<hbm>>
      %dma_start3A_14 = tpu.memref_slice %arg5[%mul3A_2] : memref<1024xi32, #tpu.memory_space<hbm>> -> memref<32xi32, #tpu.memory_space<hbm>>
      tpu.enqueue_dma source(%dma_start3A_14 : memref<32xi32, #tpu.memory_space<hbm>>) target(%arg10 : memref<32xi32, #tpu.memory_space<vmem>>) target_semaphore(%run_scoped3A : memref<!tpu.dma_semaphore, #tpu.memory_space<semaphore_mem>>)
      %dma_wait3A_15 = tpu.memref_slice %arg5[%mul3A_2] : memref<1024xi32, #tpu.memory_space<hbm>> -> memref<32xi32, #tpu.memory_space<hbm>>
      %dma_wait3A_16 = tpu.memref_slice %arg5[%mul3A_2] : memref<1024xi32, #tpu.memory_space<hbm>> -> memref<32xi32, #tpu.memory_space<hbm>>
      tpu.wait_dma2 semaphore(%run_scoped3A : memref<!tpu.dma_semaphore, #tpu.memory_space<semaphore_mem>>) src(%dma_wait3A_16 : memref<32xi32, #tpu.memory_space<hbm>>) dst(%arg10 : memref<32xi32, #tpu.memory_space<vmem>>)
      tpu.yield
    }) : () -> ()
    %dma_start3A = arith.constant 0 : i32
    %dma_start3A_3 = arith.constant 0 : i32
    %dma_start3A_4 = tpu.memref_slice %arg2[%dma_start3A, %dma_start3A_3] : memref<32000x1024xf32, #tpu.memory_space<hbm>> -> memref<32000x1024xf32, #tpu.memory_space<hbm>>
    tpu.enqueue_indirect_dma source(%dma_start3A_4 : memref<32000x1024xf32, #tpu.memory_space<hbm>>) target(%arg9 : memref<32x1024xf32, #tpu.memory_space<vmem>>) offsets(%arg8 : memref<32xi32, #tpu.memory_space<vmem>>) semaphore(%arg12 : memref<!tpu.dma_semaphore, #tpu.memory_space<semaphore_mem>>)
    %dma_start3A_5 = arith.constant 0 : i32
    %dma_start3A_6 = arith.constant 0 : i32
    %dma_start3A_7 = tpu.memref_slice %arg3[%dma_start3A_5, %dma_start3A_6] : memref<32000x1024xf32, #tpu.memory_space<hbm>> -> memref<32000x1024xf32, #tpu.memory_space<hbm>>
    tpu.enqueue_indirect_dma source(%dma_start3A_7 : memref<32000x1024xf32, #tpu.memory_space<hbm>>) target(%arg11 : memref<32x1024xf32, #tpu.memory_space<vmem>>) offsets(%arg10 : memref<32xi32, #tpu.memory_space<vmem>>) semaphore(%arg13 : memref<!tpu.dma_semaphore, #tpu.memory_space<semaphore_mem>>)
    %dma_wait3A = arith.constant 0 : i32
    %dma_wait3A_8 = arith.constant 0 : i32
    %dma_wait3A_9 = tpu.memref_slice %arg2[%dma_wait3A, %dma_wait3A_8] : memref<32000x1024xf32, #tpu.memory_space<hbm>> -> memref<32000x1024xf32, #tpu.memory_space<hbm>>
    tpu.wait_indirect_dma semaphore(%arg12 : memref<!tpu.dma_semaphore, #tpu.memory_space<semaphore_mem>>) src(%dma_wait3A_9 : memref<32000x1024xf32, #tpu.memory_space<hbm>>) dst(%arg9 : memref<32x1024xf32, #tpu.memory_space<vmem>>)
    %dma_wait3A_10 = arith.constant 0 : i32
    %dma_wait3A_11 = arith.constant 0 : i32
    %dma_wait3A_12 = tpu.memref_slice %arg3[%dma_wait3A_10, %dma_wait3A_11] : memref<32000x1024xf32, #tpu.memory_space<hbm>> -> memref<32000x1024xf32, #tpu.memory_space<hbm>>
    tpu.wait_indirect_dma semaphore(%arg13 : memref<!tpu.dma_semaphore, #tpu.memory_space<semaphore_mem>>) src(%dma_wait3A_12 : memref<32000x1024xf32, #tpu.memory_space<hbm>>) dst(%arg11 : memref<32x1024xf32, #tpu.memory_space<vmem>>)
    "tpu.region"() ({
      %run_scoped3A = tpu.sem_alloc : memref<!tpu.dma_semaphore, #tpu.memory_space<semaphore_mem>>
      %dma_start3A_13 = arith.constant 0 : i32
      %dma_start3A_14 = tpu.memref_slice %arg6[%mul3A_2, %dma_start3A_13] : memref<1024x1024xf32, #tpu.memory_space<hbm>> -> memref<32x1024xf32, #tpu.memory_space<hbm>>
      %dma_start3A_15 = arith.constant 0 : i32
      %dma_start3A_16 = tpu.memref_slice %arg6[%mul3A_2, %dma_start3A_15] : memref<1024x1024xf32, #tpu.memory_space<hbm>> -> memref<32x1024xf32, #tpu.memory_space<hbm>>
      tpu.enqueue_dma source(%arg9 : memref<32x1024xf32, #tpu.memory_space<vmem>>) target(%dma_start3A_16 : memref<32x1024xf32, #tpu.memory_space<hbm>>) target_semaphore(%run_scoped3A : memref<!tpu.dma_semaphore, #tpu.memory_space<semaphore_mem>>)
      %dma_wait3A_17 = arith.constant 0 : i32
      %dma_wait3A_18 = tpu.memref_slice %arg6[%mul3A_2, %dma_wait3A_17] : memref<1024x1024xf32, #tpu.memory_space<hbm>> -> memref<32x1024xf32, #tpu.memory_space<hbm>>
      %dma_wait3A_19 = arith.constant 0 : i32
      %dma_wait3A_20 = tpu.memref_slice %arg6[%mul3A_2, %dma_wait3A_19] : memref<1024x1024xf32, #tpu.memory_space<hbm>> -> memref<32x1024xf32, #tpu.memory_space<hbm>>
      tpu.wait_dma2 semaphore(%run_scoped3A : memref<!tpu.dma_semaphore, #tpu.memory_space<semaphore_mem>>) src(%arg9 : memref<32x1024xf32, #tpu.memory_space<vmem>>) dst(%dma_wait3A_20 : memref<32x1024xf32, #tpu.memory_space<hbm>>)
      tpu.yield
    }) : () -> ()
    "tpu.region"() ({
      %run_scoped3A = tpu.sem_alloc : memref<!tpu.dma_semaphore, #tpu.memory_space<semaphore_mem>>
      %dma_start3A_13 = arith.constant 0 : i32
      %dma_start3A_14 = tpu.memref_slice %arg7[%mul3A_2, %dma_start3A_13] : memref<1024x1024xf32, #tpu.memory_space<hbm>> -> memref<32x1024xf32, #tpu.memory_space<hbm>>
      %dma_start3A_15 = arith.constant 0 : i32
      %dma_start3A_16 = tpu.memref_slice %arg7[%mul3A_2, %dma_start3A_15] : memref<1024x1024xf32, #tpu.memory_space<hbm>> -> memref<32x1024xf32, #tpu.memory_space<hbm>>
      tpu.enqueue_dma source(%arg11 : memref<32x1024xf32, #tpu.memory_space<vmem>>) target(%dma_start3A_16 : memref<32x1024xf32, #tpu.memory_space<hbm>>) target_semaphore(%run_scoped3A : memref<!tpu.dma_semaphore, #tpu.memory_space<semaphore_mem>>)
      %dma_wait3A_17 = arith.constant 0 : i32
      %dma_wait3A_18 = tpu.memref_slice %arg7[%mul3A_2, %dma_wait3A_17] : memref<1024x1024xf32, #tpu.memory_space<hbm>> -> memref<32x1024xf32, #tpu.memory_space<hbm>>
      %dma_wait3A_19 = arith.constant 0 : i32
      %dma_wait3A_20 = tpu.memref_slice %arg7[%mul3A_2, %dma_wait3A_19] : memref<1024x1024xf32, #tpu.memory_space<hbm>> -> memref<32x1024xf32, #tpu.memory_space<hbm>>
      tpu.wait_dma2 semaphore(%run_scoped3A : memref<!tpu.dma_semaphore, #tpu.memory_space<semaphore_mem>>) src(%arg11 : memref<32x1024xf32, #tpu.memory_space<vmem>>) dst(%dma_wait3A_20 : memref<32x1024xf32, #tpu.memory_space<hbm>>)
      tpu.yield
    }) : () -> ()
    return
  }
}

module attributes {stable_mosaic.version = 14 : i64} {
  func.func @_ctx_kv_body(%arg0: i32, %arg1: i32, %arg2: memref<1x256x1024xf32, #tpu.memory_space<vmem>>, %arg3: memref<1x256x1024xf32, #tpu.memory_space<vmem>>, %arg4: memref<1x256x1024xf32, #tpu.memory_space<vmem>>, %arg5: memref<3072x1024xf32, #tpu.memory_space<vmem>>, %arg6: memref<1024x1024xf32, #tpu.memory_space<vmem>>, %arg7: memref<1024x1024xbf16, #tpu.memory_space<vmem>>, %arg8: memref<1024x1024xf32, #tpu.memory_space<vmem>>, %arg9: memref<256x32xf32, #tpu.memory_space<vmem>>, %arg10: memref<256x32xf32, #tpu.memory_space<vmem>>, %arg11: memref<1x256x1024xbf16, #tpu.memory_space<vmem>>, %arg12: memref<1x256x1024xbf16, #tpu.memory_space<vmem>>) attributes {dimension_semantics = [#tpu.dimension_semantics<arbitrary>, #tpu.dimension_semantics<arbitrary>], iteration_bounds = array<i64: 2, 8>, scalar_prefetch = 0 : i64, scratch_operands = 0 : i64, tpu.core_type = #tpu.core_type<tc>, window_params = [{transform_indices = @transform_0, window_bounds = array<i64: 1, 256, 1024>}, {transform_indices = @transform_1, window_bounds = array<i64: 1, 256, 1024>}, {transform_indices = @transform_2, window_bounds = array<i64: 1, 256, 1024>}, {pipeline_mode = #tpu.pipeline_mode<synchronous>, transform_indices = @transform_3, window_bounds = array<i64: 3072, 1024>}, {pipeline_mode = #tpu.pipeline_mode<synchronous>, transform_indices = @transform_4, window_bounds = array<i64: 1024, 1024>}, {pipeline_mode = #tpu.pipeline_mode<synchronous>, transform_indices = @transform_5, window_bounds = array<i64: 1024, 1024>}, {pipeline_mode = #tpu.pipeline_mode<synchronous>, transform_indices = @transform_6, window_bounds = array<i64: 1024, 1024>}, {transform_indices = @transform_7, window_bounds = array<i64: 256, 32>}, {transform_indices = @transform_8, window_bounds = array<i64: 256, 32>}, {transform_indices = @transform_9, window_bounds = array<i64: 1, 256, 1024>}, {transform_indices = @transform_10, window_bounds = array<i64: 1, 256, 1024>}]} {
    %get3A = arith.constant 0 : index
    %get3A_0 = arith.constant 0 : index
    %get3A_1 = arith.constant 0 : index
    %get3A_2 = vector.load %arg2[%get3A, %get3A_0, %get3A_1] : memref<1x256x1024xf32, #tpu.memory_space<vmem>>, vector<1x256x1024xf32>
    %get3A_3 = vector.shape_cast %get3A_2 : vector<1x256x1024xf32> to vector<256x1024xf32>
    %convert_element_type3A = arith.truncf %get3A_3 : vector<256x1024xf32> to vector<256x1024xbf16>
    %get3A_4 = arith.constant 0 : index
    %get3A_5 = arith.constant 0 : index
    %get3A_6 = arith.constant 0 : index
    %get3A_7 = vector.load %arg3[%get3A_4, %get3A_5, %get3A_6] : memref<1x256x1024xf32, #tpu.memory_space<vmem>>, vector<1x256x1024xf32>
    %get3A_8 = vector.shape_cast %get3A_7 : vector<1x256x1024xf32> to vector<256x1024xf32>
    %convert_element_type3A_9 = arith.truncf %get3A_8 : vector<256x1024xf32> to vector<256x1024xbf16>
    %get3A_10 = arith.constant 0 : index
    %get3A_11 = arith.constant 0 : index
    %get3A_12 = arith.constant 0 : index
    %get3A_13 = vector.load %arg4[%get3A_10, %get3A_11, %get3A_12] : memref<1x256x1024xf32, #tpu.memory_space<vmem>>, vector<1x256x1024xf32>
    %get3A_14 = vector.shape_cast %get3A_13 : vector<1x256x1024xf32> to vector<256x1024xf32>
    %convert_element_type3A_15 = arith.truncf %get3A_14 : vector<256x1024xf32> to vector<256x1024xbf16>
    %get3A_16 = arith.constant 0 : index
    %get3A_17 = arith.constant 0 : index
    %get3A_18 = vector.load %arg5[%get3A_16, %get3A_17] : memref<3072x1024xf32, #tpu.memory_space<vmem>>, vector<1024x1024xf32>
    %convert_element_type3A_19 = arith.truncf %get3A_18 : vector<1024x1024xf32> to vector<1024x1024xbf16>
    %dot_general3A = arith.constant dense<0.000000e+00> : vector<256x1024xf32>
    %dot_general3A_20 = tpu.matmul %convert_element_type3A, %convert_element_type3A_19, %dot_general3A {dimension_numbers = #tpu.dot_dimension_numbers<[1], [0], [0], [1], [0, 0, 1, 1], [], []>, transpose_lhs_hint = false} : vector<256x1024xbf16>, vector<1024x1024xbf16>, vector<256x1024xf32> -> vector<256x1024xf32>
    %get3A_21 = arith.constant 1024 : index
    %get3A_22 = arith.constant 0 : index
    %get3A_23 = vector.load %arg5[%get3A_21, %get3A_22] : memref<3072x1024xf32, #tpu.memory_space<vmem>>, vector<1024x1024xf32>
    %convert_element_type3A_24 = arith.truncf %get3A_23 : vector<1024x1024xf32> to vector<1024x1024xbf16>
    %dot_general3A_25 = arith.constant dense<0.000000e+00> : vector<256x1024xf32>
    %dot_general3A_26 = tpu.matmul %convert_element_type3A_9, %convert_element_type3A_24, %dot_general3A_25 {dimension_numbers = #tpu.dot_dimension_numbers<[1], [0], [0], [1], [0, 0, 1, 1], [], []>, transpose_lhs_hint = false} : vector<256x1024xbf16>, vector<1024x1024xbf16>, vector<256x1024xf32> -> vector<256x1024xf32>
    %add3A = arith.addf %dot_general3A_20, %dot_general3A_26 : vector<256x1024xf32>
    %get3A_27 = arith.constant 2048 : index
    %get3A_28 = arith.constant 0 : index
    %get3A_29 = vector.load %arg5[%get3A_27, %get3A_28] : memref<3072x1024xf32, #tpu.memory_space<vmem>>, vector<1024x1024xf32>
    %convert_element_type3A_30 = arith.truncf %get3A_29 : vector<1024x1024xf32> to vector<1024x1024xbf16>
    %dot_general3A_31 = arith.constant dense<0.000000e+00> : vector<256x1024xf32>
    %dot_general3A_32 = tpu.matmul %convert_element_type3A_15, %convert_element_type3A_30, %dot_general3A_31 {dimension_numbers = #tpu.dot_dimension_numbers<[1], [0], [0], [1], [0, 0, 1, 1], [], []>, transpose_lhs_hint = false} : vector<256x1024xbf16>, vector<1024x1024xbf16>, vector<256x1024xf32> -> vector<256x1024xf32>
    %add3A_33 = arith.addf %add3A, %dot_general3A_32 : vector<256x1024xf32>
    %convert_element_type3A_34 = arith.truncf %add3A_33 : vector<256x1024xf32> to vector<256x1024xbf16>
    %get3A_35 = arith.constant 0 : index
    %get3A_36 = arith.constant 0 : index
    %get3A_37 = vector.load %arg9[%get3A_35, %get3A_36] : memref<256x32xf32, #tpu.memory_space<vmem>>, vector<256x32xf32>
    %tile3A = tpu.concatenate %get3A_37, %get3A_37, %get3A_37, %get3A_37, %get3A_37, %get3A_37, %get3A_37, %get3A_37, %get3A_37, %get3A_37, %get3A_37, %get3A_37, %get3A_37, %get3A_37, %get3A_37, %get3A_37, %get3A_37, %get3A_37, %get3A_37, %get3A_37, %get3A_37, %get3A_37, %get3A_37, %get3A_37, %get3A_37, %get3A_37, %get3A_37, %get3A_37, %get3A_37, %get3A_37, %get3A_37, %get3A_37 in 1 : vector<256x32xf32>, vector<256x32xf32>, vector<256x32xf32>, vector<256x32xf32>, vector<256x32xf32>, vector<256x32xf32>, vector<256x32xf32>, vector<256x32xf32>, vector<256x32xf32>, vector<256x32xf32>, vector<256x32xf32>, vector<256x32xf32>, vector<256x32xf32>, vector<256x32xf32>, vector<256x32xf32>, vector<256x32xf32>, vector<256x32xf32>, vector<256x32xf32>, vector<256x32xf32>, vector<256x32xf32>, vector<256x32xf32>, vector<256x32xf32>, vector<256x32xf32>, vector<256x32xf32>, vector<256x32xf32>, vector<256x32xf32>, vector<256x32xf32>, vector<256x32xf32>, vector<256x32xf32>, vector<256x32xf32>, vector<256x32xf32>, vector<256x32xf32> -> vector<256x1024xf32>
    %get3A_38 = arith.constant 0 : index
    %get3A_39 = arith.constant 0 : index
    %get3A_40 = vector.load %arg10[%get3A_38, %get3A_39] : memref<256x32xf32, #tpu.memory_space<vmem>>, vector<256x32xf32>
    %tile3A_41 = tpu.concatenate %get3A_40, %get3A_40, %get3A_40, %get3A_40, %get3A_40, %get3A_40, %get3A_40, %get3A_40, %get3A_40, %get3A_40, %get3A_40, %get3A_40, %get3A_40, %get3A_40, %get3A_40, %get3A_40, %get3A_40, %get3A_40, %get3A_40, %get3A_40, %get3A_40, %get3A_40, %get3A_40, %get3A_40, %get3A_40, %get3A_40, %get3A_40, %get3A_40, %get3A_40, %get3A_40, %get3A_40, %get3A_40 in 1 : vector<256x32xf32>, vector<256x32xf32>, vector<256x32xf32>, vector<256x32xf32>, vector<256x32xf32>, vector<256x32xf32>, vector<256x32xf32>, vector<256x32xf32>, vector<256x32xf32>, vector<256x32xf32>, vector<256x32xf32>, vector<256x32xf32>, vector<256x32xf32>, vector<256x32xf32>, vector<256x32xf32>, vector<256x32xf32>, vector<256x32xf32>, vector<256x32xf32>, vector<256x32xf32>, vector<256x32xf32>, vector<256x32xf32>, vector<256x32xf32>, vector<256x32xf32>, vector<256x32xf32>, vector<256x32xf32>, vector<256x32xf32>, vector<256x32xf32>, vector<256x32xf32>, vector<256x32xf32>, vector<256x32xf32>, vector<256x32xf32>, vector<256x32xf32> -> vector<256x1024xf32>
    %get3A_42 = arith.constant 0 : index
    %get3A_43 = arith.constant 0 : index
    %get3A_44 = vector.load %arg6[%get3A_42, %get3A_43] : memref<1024x1024xf32, #tpu.memory_space<vmem>>, vector<1024x1024xf32>
    %convert_element_type3A_45 = arith.truncf %get3A_44 : vector<1024x1024xf32> to vector<1024x1024xbf16>
    %dot_general3A_46 = arith.constant dense<0.000000e+00> : vector<256x1024xf32>
    %dot_general3A_47 = tpu.matmul %convert_element_type3A_34, %convert_element_type3A_45, %dot_general3A_46 {dimension_numbers = #tpu.dot_dimension_numbers<[1], [0], [0], [1], [0, 0, 1, 1], [], []>, transpose_lhs_hint = false} : vector<256x1024xbf16>, vector<1024x1024xbf16>, vector<256x1024xf32> -> vector<256x1024xf32>
    %get3A_48 = arith.constant 0 : index
    %get3A_49 = arith.constant 0 : index
    %get3A_50 = vector.load %arg7[%get3A_48, %get3A_49] : memref<1024x1024xbf16, #tpu.memory_space<vmem>>, vector<1024x1024xbf16>
    %dot_general3A_51 = arith.constant dense<0.000000e+00> : vector<256x1024xf32>
    %dot_general3A_52 = tpu.matmul %convert_element_type3A_34, %get3A_50, %dot_general3A_51 {dimension_numbers = #tpu.dot_dimension_numbers<[1], [0], [0], [1], [0, 0, 1, 1], [], []>, transpose_lhs_hint = false} : vector<256x1024xbf16>, vector<1024x1024xbf16>, vector<256x1024xf32> -> vector<256x1024xf32>
    %mul3A = arith.mulf %dot_general3A_47, %tile3A : vector<256x1024xf32>
    %mul3A_53 = arith.mulf %dot_general3A_52, %tile3A_41 : vector<256x1024xf32>
    %add3A_54 = arith.addf %mul3A, %mul3A_53 : vector<256x1024xf32>
    %convert_element_type3A_55 = arith.truncf %add3A_54 : vector<256x1024xf32> to vector<256x1024xbf16>
    %swap3A = arith.constant 0 : index
    %swap3A_56 = arith.constant 0 : index
    %swap3A_57 = arith.constant 0 : index
    %swap3A_58 = vector.load %arg11[%swap3A, %swap3A_56, %swap3A_57] : memref<1x256x1024xbf16, #tpu.memory_space<vmem>>, vector<1x256x1024xbf16>
    %swap3A_59 = vector.shape_cast %swap3A_58 : vector<1x256x1024xbf16> to vector<256x1024xbf16>
    %swap3A_60 = vector.shape_cast %convert_element_type3A_55 : vector<256x1024xbf16> to vector<1x256x1024xbf16>
    tpu.vector_store %arg11[%swap3A, %swap3A_56, %swap3A_57], %swap3A_60 {strides = array<i32>} : memref<1x256x1024xbf16, #tpu.memory_space<vmem>>, vector<1x256x1024xbf16>,
    %get3A_61 = arith.constant 0 : index
    %get3A_62 = arith.constant 0 : index
    %get3A_63 = vector.load %arg8[%get3A_61, %get3A_62] : memref<1024x1024xf32, #tpu.memory_space<vmem>>, vector<1024x1024xf32>
    %convert_element_type3A_64 = arith.truncf %get3A_63 : vector<1024x1024xf32> to vector<1024x1024xbf16>
    %dot_general3A_65 = arith.constant dense<0.000000e+00> : vector<256x1024xf32>
    %dot_general3A_66 = tpu.matmul %convert_element_type3A_34, %convert_element_type3A_64, %dot_general3A_65 {dimension_numbers = #tpu.dot_dimension_numbers<[1], [0], [0], [1], [0, 0, 1, 1], [], []>, transpose_lhs_hint = false} : vector<256x1024xbf16>, vector<1024x1024xbf16>, vector<256x1024xf32> -> vector<256x1024xf32>
    %convert_element_type3A_67 = arith.truncf %dot_general3A_66 : vector<256x1024xf32> to vector<256x1024xbf16>
    %swap3A_68 = arith.constant 0 : index
    %swap3A_69 = arith.constant 0 : index
    %swap3A_70 = arith.constant 0 : index
    %swap3A_71 = vector.load %arg12[%swap3A_68, %swap3A_69, %swap3A_70] : memref<1x256x1024xbf16, #tpu.memory_space<vmem>>, vector<1x256x1024xbf16>
    %swap3A_72 = vector.shape_cast %swap3A_71 : vector<1x256x1024xbf16> to vector<256x1024xbf16>
    %swap3A_73 = vector.shape_cast %convert_element_type3A_67 : vector<256x1024xbf16> to vector<1x256x1024xbf16>
    tpu.vector_store %arg12[%swap3A_68, %swap3A_69, %swap3A_70], %swap3A_73 {strides = array<i32>} : memref<1x256x1024xbf16, #tpu.memory_space<vmem>>, vector<1x256x1024xbf16>,
    return
  }
  func.func @transform_0(%arg0: i32, %arg1: i32) -> (i32, i32, i32) {
    %c0_i32 = arith.constant 0 : i32
    %c0_i32_0 = arith.constant 0 : i32
    return %arg0, %arg1, %c0_i32 : i32, i32, i32
  }
  func.func @transform_1(%arg0: i32, %arg1: i32) -> (i32, i32, i32) {
    %c0_i32 = arith.constant 0 : i32
    %c0_i32_0 = arith.constant 0 : i32
    return %arg0, %arg1, %c0_i32 : i32, i32, i32
  }
  func.func @transform_2(%arg0: i32, %arg1: i32) -> (i32, i32, i32) {
    %c0_i32 = arith.constant 0 : i32
    %c0_i32_0 = arith.constant 0 : i32
    return %arg0, %arg1, %c0_i32 : i32, i32, i32
  }
  func.func @transform_3(%arg0: i32, %arg1: i32) -> (i32, i32) {
    %c0_i32 = arith.constant 0 : i32
    %c0_i32_0 = arith.constant 0 : i32
    %c0_i32_1 = arith.constant 0 : i32
    return %c0_i32, %c0_i32_0 : i32, i32
  }
  func.func @transform_4(%arg0: i32, %arg1: i32) -> (i32, i32) {
    %c0_i32 = arith.constant 0 : i32
    %c0_i32_0 = arith.constant 0 : i32
    %c0_i32_1 = arith.constant 0 : i32
    return %c0_i32, %c0_i32_0 : i32, i32
  }
  func.func @transform_5(%arg0: i32, %arg1: i32) -> (i32, i32) {
    %c0_i32 = arith.constant 0 : i32
    %c0_i32_0 = arith.constant 0 : i32
    %c0_i32_1 = arith.constant 0 : i32
    return %c0_i32, %c0_i32_0 : i32, i32
  }
  func.func @transform_6(%arg0: i32, %arg1: i32) -> (i32, i32) {
    %c0_i32 = arith.constant 0 : i32
    %c0_i32_0 = arith.constant 0 : i32
    %c0_i32_1 = arith.constant 0 : i32
    return %c0_i32, %c0_i32_0 : i32, i32
  }
  func.func @transform_7(%arg0: i32, %arg1: i32) -> (i32, i32) {
    %c0_i32 = arith.constant 0 : i32
    %c0_i32_0 = arith.constant 0 : i32
    return %arg1, %c0_i32 : i32, i32
  }
  func.func @transform_8(%arg0: i32, %arg1: i32) -> (i32, i32) {
    %c0_i32 = arith.constant 0 : i32
    %c0_i32_0 = arith.constant 0 : i32
    return %arg1, %c0_i32 : i32, i32
  }
  func.func @transform_9(%arg0: i32, %arg1: i32) -> (i32, i32, i32) {
    %c0_i32 = arith.constant 0 : i32
    %c0_i32_0 = arith.constant 0 : i32
    return %arg0, %arg1, %c0_i32 : i32, i32, i32
  }
  func.func @transform_10(%arg0: i32, %arg1: i32) -> (i32, i32, i32) {
    %c0_i32 = arith.constant 0 : i32
    %c0_i32_0 = arith.constant 0 : i32
    return %arg0, %arg1, %c0_i32 : i32, i32, i32
  }
}

module attributes {stable_mosaic.version = 14 : i64} {
  func.func @_qkv_body(%arg0: i32, %arg1: memref<512x1024xf32, #tpu.memory_space<vmem>>, %arg2: memref<1024x1024xf32, #tpu.memory_space<vmem>>, %arg3: memref<1024x1024xbf16, #tpu.memory_space<vmem>>, %arg4: memref<1024x1024xf32, #tpu.memory_space<vmem>>, %arg5: memref<1024x1024xbf16, #tpu.memory_space<vmem>>, %arg6: memref<1024x1024xf32, #tpu.memory_space<vmem>>, %arg7: memref<512x32xf32, #tpu.memory_space<vmem>>, %arg8: memref<512x32xf32, #tpu.memory_space<vmem>>, %arg9: memref<512x1024xbf16, #tpu.memory_space<vmem>>, %arg10: memref<512x1024xbf16, #tpu.memory_space<vmem>>, %arg11: memref<512x1024xbf16, #tpu.memory_space<vmem>>) attributes {dimension_semantics = [#tpu.dimension_semantics<arbitrary>], iteration_bounds = array<i64: 2>, scalar_prefetch = 0 : i64, scratch_operands = 0 : i64, tpu.core_type = #tpu.core_type<tc>, window_params = [{transform_indices = @transform_0, window_bounds = array<i64: 512, 1024>}, {pipeline_mode = #tpu.pipeline_mode<synchronous>, transform_indices = @transform_1, window_bounds = array<i64: 1024, 1024>}, {pipeline_mode = #tpu.pipeline_mode<synchronous>, transform_indices = @transform_2, window_bounds = array<i64: 1024, 1024>}, {pipeline_mode = #tpu.pipeline_mode<synchronous>, transform_indices = @transform_3, window_bounds = array<i64: 1024, 1024>}, {pipeline_mode = #tpu.pipeline_mode<synchronous>, transform_indices = @transform_4, window_bounds = array<i64: 1024, 1024>}, {pipeline_mode = #tpu.pipeline_mode<synchronous>, transform_indices = @transform_5, window_bounds = array<i64: 1024, 1024>}, {transform_indices = @transform_6, window_bounds = array<i64: 512, 32>}, {transform_indices = @transform_7, window_bounds = array<i64: 512, 32>}, {transform_indices = @transform_8, window_bounds = array<i64: 512, 1024>}, {transform_indices = @transform_9, window_bounds = array<i64: 512, 1024>}, {transform_indices = @transform_10, window_bounds = array<i64: 512, 1024>}]} {
    %get3A = arith.constant 0 : index
    %get3A_0 = arith.constant 0 : index
    %get3A_1 = vector.load %arg1[%get3A, %get3A_0] : memref<512x1024xf32, #tpu.memory_space<vmem>>, vector<512x1024xf32>
    %convert_element_type3A = arith.truncf %get3A_1 : vector<512x1024xf32> to vector<512x1024xbf16>
    %get3A_2 = arith.constant 0 : index
    %get3A_3 = arith.constant 0 : index
    %get3A_4 = vector.load %arg7[%get3A_2, %get3A_3] : memref<512x32xf32, #tpu.memory_space<vmem>>, vector<512x32xf32>
    %tile3A = tpu.concatenate %get3A_4, %get3A_4, %get3A_4, %get3A_4, %get3A_4, %get3A_4, %get3A_4, %get3A_4, %get3A_4, %get3A_4, %get3A_4, %get3A_4, %get3A_4, %get3A_4, %get3A_4, %get3A_4, %get3A_4, %get3A_4, %get3A_4, %get3A_4, %get3A_4, %get3A_4, %get3A_4, %get3A_4, %get3A_4, %get3A_4, %get3A_4, %get3A_4, %get3A_4, %get3A_4, %get3A_4, %get3A_4 in 1 : vector<512x32xf32>, vector<512x32xf32>, vector<512x32xf32>, vector<512x32xf32>, vector<512x32xf32>, vector<512x32xf32>, vector<512x32xf32>, vector<512x32xf32>, vector<512x32xf32>, vector<512x32xf32>, vector<512x32xf32>, vector<512x32xf32>, vector<512x32xf32>, vector<512x32xf32>, vector<512x32xf32>, vector<512x32xf32>, vector<512x32xf32>, vector<512x32xf32>, vector<512x32xf32>, vector<512x32xf32>, vector<512x32xf32>, vector<512x32xf32>, vector<512x32xf32>, vector<512x32xf32>, vector<512x32xf32>, vector<512x32xf32>, vector<512x32xf32>, vector<512x32xf32>, vector<512x32xf32>, vector<512x32xf32>, vector<512x32xf32>, vector<512x32xf32> -> vector<512x1024xf32>
    %get3A_5 = arith.constant 0 : index
    %get3A_6 = arith.constant 0 : index
    %get3A_7 = vector.load %arg8[%get3A_5, %get3A_6] : memref<512x32xf32, #tpu.memory_space<vmem>>, vector<512x32xf32>
    %tile3A_8 = tpu.concatenate %get3A_7, %get3A_7, %get3A_7, %get3A_7, %get3A_7, %get3A_7, %get3A_7, %get3A_7, %get3A_7, %get3A_7, %get3A_7, %get3A_7, %get3A_7, %get3A_7, %get3A_7, %get3A_7, %get3A_7, %get3A_7, %get3A_7, %get3A_7, %get3A_7, %get3A_7, %get3A_7, %get3A_7, %get3A_7, %get3A_7, %get3A_7, %get3A_7, %get3A_7, %get3A_7, %get3A_7, %get3A_7 in 1 : vector<512x32xf32>, vector<512x32xf32>, vector<512x32xf32>, vector<512x32xf32>, vector<512x32xf32>, vector<512x32xf32>, vector<512x32xf32>, vector<512x32xf32>, vector<512x32xf32>, vector<512x32xf32>, vector<512x32xf32>, vector<512x32xf32>, vector<512x32xf32>, vector<512x32xf32>, vector<512x32xf32>, vector<512x32xf32>, vector<512x32xf32>, vector<512x32xf32>, vector<512x32xf32>, vector<512x32xf32>, vector<512x32xf32>, vector<512x32xf32>, vector<512x32xf32>, vector<512x32xf32>, vector<512x32xf32>, vector<512x32xf32>, vector<512x32xf32>, vector<512x32xf32>, vector<512x32xf32>, vector<512x32xf32>, vector<512x32xf32>, vector<512x32xf32> -> vector<512x1024xf32>
    %get3A_9 = arith.constant 0 : index
    %get3A_10 = arith.constant 0 : index
    %get3A_11 = vector.load %arg2[%get3A_9, %get3A_10] : memref<1024x1024xf32, #tpu.memory_space<vmem>>, vector<1024x1024xf32>
    %convert_element_type3A_12 = arith.truncf %get3A_11 : vector<1024x1024xf32> to vector<1024x1024xbf16>
    %dot_general3A = arith.constant dense<0.000000e+00> : vector<512x1024xf32>
    %dot_general3A_13 = tpu.matmul %convert_element_type3A, %convert_element_type3A_12, %dot_general3A {dimension_numbers = #tpu.dot_dimension_numbers<[1], [0], [0], [1], [0, 0, 1, 1], [], []>, transpose_lhs_hint = false} : vector<512x1024xbf16>, vector<1024x1024xbf16>, vector<512x1024xf32> -> vector<512x1024xf32>
    %get3A_14 = arith.constant 0 : index
    %get3A_15 = arith.constant 0 : index
    %get3A_16 = vector.load %arg3[%get3A_14, %get3A_15] : memref<1024x1024xbf16, #tpu.memory_space<vmem>>, vector<1024x1024xbf16>
    %dot_general3A_17 = arith.constant dense<0.000000e+00> : vector<512x1024xf32>
    %dot_general3A_18 = tpu.matmul %convert_element_type3A, %get3A_16, %dot_general3A_17 {dimension_numbers = #tpu.dot_dimension_numbers<[1], [0], [0], [1], [0, 0, 1, 1], [], []>, transpose_lhs_hint = false} : vector<512x1024xbf16>, vector<1024x1024xbf16>, vector<512x1024xf32> -> vector<512x1024xf32>
    %mul3A = arith.mulf %dot_general3A_13, %tile3A : vector<512x1024xf32>
    %mul3A_19 = arith.mulf %dot_general3A_18, %tile3A_8 : vector<512x1024xf32>
    %add3A = arith.addf %mul3A, %mul3A_19 : vector<512x1024xf32>
    %mul3A_20 = arith.constant 0.180336878 : f32
    %mul3A_21 = vector.broadcast %mul3A_20 : f32 to vector<512x1024xf32>
    %mul3A_22 = arith.mulf %add3A, %mul3A_21 : vector<512x1024xf32>
    %convert_element_type3A_23 = arith.truncf %mul3A_22 : vector<512x1024xf32> to vector<512x1024xbf16>
    %swap3A = arith.constant 0 : index
    %swap3A_24 = arith.constant 0 : index
    %swap3A_25 = vector.load %arg9[%swap3A, %swap3A_24] : memref<512x1024xbf16, #tpu.memory_space<vmem>>, vector<512x1024xbf16>
    tpu.vector_store %arg9[%swap3A, %swap3A_24], %convert_element_type3A_23 {strides = array<i32>} : memref<512x1024xbf16, #tpu.memory_space<vmem>>, vector<512x1024xbf16>,
    %get3A_26 = arith.constant 0 : index
    %get3A_27 = arith.constant 0 : index
    %get3A_28 = vector.load %arg4[%get3A_26, %get3A_27] : memref<1024x1024xf32, #tpu.memory_space<vmem>>, vector<1024x1024xf32>
    %convert_element_type3A_29 = arith.truncf %get3A_28 : vector<1024x1024xf32> to vector<1024x1024xbf16>
    %dot_general3A_30 = arith.constant dense<0.000000e+00> : vector<512x1024xf32>
    %dot_general3A_31 = tpu.matmul %convert_element_type3A, %convert_element_type3A_29, %dot_general3A_30 {dimension_numbers = #tpu.dot_dimension_numbers<[1], [0], [0], [1], [0, 0, 1, 1], [], []>, transpose_lhs_hint = false} : vector<512x1024xbf16>, vector<1024x1024xbf16>, vector<512x1024xf32> -> vector<512x1024xf32>
    %get3A_32 = arith.constant 0 : index
    %get3A_33 = arith.constant 0 : index
    %get3A_34 = vector.load %arg5[%get3A_32, %get3A_33] : memref<1024x1024xbf16, #tpu.memory_space<vmem>>, vector<1024x1024xbf16>
    %dot_general3A_35 = arith.constant dense<0.000000e+00> : vector<512x1024xf32>
    %dot_general3A_36 = tpu.matmul %convert_element_type3A, %get3A_34, %dot_general3A_35 {dimension_numbers = #tpu.dot_dimension_numbers<[1], [0], [0], [1], [0, 0, 1, 1], [], []>, transpose_lhs_hint = false} : vector<512x1024xbf16>, vector<1024x1024xbf16>, vector<512x1024xf32> -> vector<512x1024xf32>
    %mul3A_37 = arith.mulf %dot_general3A_31, %tile3A : vector<512x1024xf32>
    %mul3A_38 = arith.mulf %dot_general3A_36, %tile3A_8 : vector<512x1024xf32>
    %add3A_39 = arith.addf %mul3A_37, %mul3A_38 : vector<512x1024xf32>
    %convert_element_type3A_40 = arith.truncf %add3A_39 : vector<512x1024xf32> to vector<512x1024xbf16>
    %swap3A_41 = arith.constant 0 : index
    %swap3A_42 = arith.constant 0 : index
    %swap3A_43 = vector.load %arg10[%swap3A_41, %swap3A_42] : memref<512x1024xbf16, #tpu.memory_space<vmem>>, vector<512x1024xbf16>
    tpu.vector_store %arg10[%swap3A_41, %swap3A_42], %convert_element_type3A_40 {strides = array<i32>} : memref<512x1024xbf16, #tpu.memory_space<vmem>>, vector<512x1024xbf16>,
    %get3A_44 = arith.constant 0 : index
    %get3A_45 = arith.constant 0 : index
    %get3A_46 = vector.load %arg6[%get3A_44, %get3A_45] : memref<1024x1024xf32, #tpu.memory_space<vmem>>, vector<1024x1024xf32>
    %convert_element_type3A_47 = arith.truncf %get3A_46 : vector<1024x1024xf32> to vector<1024x1024xbf16>
    %dot_general3A_48 = arith.constant dense<0.000000e+00> : vector<512x1024xf32>
    %dot_general3A_49 = tpu.matmul %convert_element_type3A, %convert_element_type3A_47, %dot_general3A_48 {dimension_numbers = #tpu.dot_dimension_numbers<[1], [0], [0], [1], [0, 0, 1, 1], [], []>, transpose_lhs_hint = false} : vector<512x1024xbf16>, vector<1024x1024xbf16>, vector<512x1024xf32> -> vector<512x1024xf32>
    %convert_element_type3A_50 = arith.truncf %dot_general3A_49 : vector<512x1024xf32> to vector<512x1024xbf16>
    %swap3A_51 = arith.constant 0 : index
    %swap3A_52 = arith.constant 0 : index
    %swap3A_53 = vector.load %arg11[%swap3A_51, %swap3A_52] : memref<512x1024xbf16, #tpu.memory_space<vmem>>, vector<512x1024xbf16>
    tpu.vector_store %arg11[%swap3A_51, %swap3A_52], %convert_element_type3A_50 {strides = array<i32>} : memref<512x1024xbf16, #tpu.memory_space<vmem>>, vector<512x1024xbf16>,
    return
  }
  func.func @transform_0(%arg0: i32) -> (i32, i32) {
    %c0_i32 = arith.constant 0 : i32
    %c0_i32_0 = arith.constant 0 : i32
    return %arg0, %c0_i32 : i32, i32
  }
  func.func @transform_1(%arg0: i32) -> (i32, i32) {
    %c0_i32 = arith.constant 0 : i32
    %c0_i32_0 = arith.constant 0 : i32
    %c0_i32_1 = arith.constant 0 : i32
    return %c0_i32, %c0_i32_0 : i32, i32
  }
  func.func @transform_2(%arg0: i32) -> (i32, i32) {
    %c0_i32 = arith.constant 0 : i32
    %c0_i32_0 = arith.constant 0 : i32
    %c0_i32_1 = arith.constant 0 : i32
    return %c0_i32, %c0_i32_0 : i32, i32
  }
  func.func @transform_3(%arg0: i32) -> (i32, i32) {
    %c0_i32 = arith.constant 0 : i32
    %c0_i32_0 = arith.constant 0 : i32
    %c0_i32_1 = arith.constant 0 : i32
    return %c0_i32, %c0_i32_0 : i32, i32
  }
  func.func @transform_4(%arg0: i32) -> (i32, i32) {
    %c0_i32 = arith.constant 0 : i32
    %c0_i32_0 = arith.constant 0 : i32
    %c0_i32_1 = arith.constant 0 : i32
    return %c0_i32, %c0_i32_0 : i32, i32
  }
  func.func @transform_5(%arg0: i32) -> (i32, i32) {
    %c0_i32 = arith.constant 0 : i32
    %c0_i32_0 = arith.constant 0 : i32
    %c0_i32_1 = arith.constant 0 : i32
    return %c0_i32, %c0_i32_0 : i32, i32
  }
  func.func @transform_6(%arg0: i32) -> (i32, i32) {
    %c0_i32 = arith.constant 0 : i32
    %c0_i32_0 = arith.constant 0 : i32
    return %arg0, %c0_i32 : i32, i32
  }
  func.func @transform_7(%arg0: i32) -> (i32, i32) {
    %c0_i32 = arith.constant 0 : i32
    %c0_i32_0 = arith.constant 0 : i32
    return %arg0, %c0_i32 : i32, i32
  }
  func.func @transform_8(%arg0: i32) -> (i32, i32) {
    %c0_i32 = arith.constant 0 : i32
    %c0_i32_0 = arith.constant 0 : i32
    return %arg0, %c0_i32 : i32, i32
  }
  func.func @transform_9(%arg0: i32) -> (i32, i32) {
    %c0_i32 = arith.constant 0 : i32
    %c0_i32_0 = arith.constant 0 : i32
    return %arg0, %c0_i32 : i32, i32
  }
  func.func @transform_10(%arg0: i32) -> (i32, i32) {
    %c0_i32 = arith.constant 0 : i32
    %c0_i32_0 = arith.constant 0 : i32
    return %arg0, %c0_i32 : i32, i32
  }
}

module attributes {stable_mosaic.version = 14 : i64} {
  func.func @_attn_body(%arg0: i32, %arg1: i32, %arg2: memref<1x512x256xbf16, #tpu.memory_space<vmem>>, %arg3: memref<1x2048x256xbf16, #tpu.memory_space<vmem>>, %arg4: memref<1x2048x256xbf16, #tpu.memory_space<vmem>>, %arg5: memref<1x512x256xbf16, #tpu.memory_space<vmem>>, %arg6: memref<1x512x256xbf16, #tpu.memory_space<vmem>>, %arg7: memref<1x512x1xf32, #tpu.memory_space<vmem>>, %arg8: memref<1x512x256xbf16, #tpu.memory_space<vmem>>, %arg9: memref<512x2048xf32, #tpu.memory_space<vmem>>, %arg10: memref<512x512xf32, #tpu.memory_space<vmem>>) attributes {dimension_semantics = [#tpu.dimension_semantics<arbitrary>, #tpu.dimension_semantics<arbitrary>], iteration_bounds = array<i64: 2, 4>, scalar_prefetch = 0 : i64, scratch_operands = 2 : i64, tpu.core_type = #tpu.core_type<tc>, window_params = [{transform_indices = @transform_0, window_bounds = array<i64: 1, 512, 256>}, {transform_indices = @transform_1, window_bounds = array<i64: 1, 2048, 256>}, {transform_indices = @transform_2, window_bounds = array<i64: 1, 2048, 256>}, {transform_indices = @transform_3, window_bounds = array<i64: 1, 512, 256>}, {transform_indices = @transform_4, window_bounds = array<i64: 1, 512, 256>}, {transform_indices = @transform_5, window_bounds = array<i64: 1, 512, 1>}, {transform_indices = @transform_6, window_bounds = array<i64: 1, 512, 256>}]} {
    %eq3A = arith.constant 0 : i32
    %eq3A_0 = arith.cmpi eq, %arg1, %eq3A : i32
    %convert_element_type3A = arith.extui %eq3A_0 : i1 to i32
    %cond3A = arith.constant 0 : i32
    %cond3A_1 = arith.cmpi ne, %convert_element_type3A, %cond3A : i32
    scf.if %cond3A_1 {
      %iota3A = tpu.iota {dimensions = array<i32: 1>} : vector<512x2048xi32>
      %convert_element_type3A_225 = arith.sitofp %iota3A : vector<512x2048xi32> to vector<512x2048xf32>
      %get3A_226 = arith.constant 0 : index
      %get3A_227 = arith.constant 0 : index
      %get3A_228 = arith.constant 0 : index
      %get3A_229 = vector.load %arg7[%get3A_226, %get3A_227, %get3A_228] : memref<1x512x1xf32, #tpu.memory_space<vmem>>, vector<1x512x1xf32>
      %get3A_230 = vector.shape_cast %get3A_229 : vector<1x512x1xf32> to vector<512x1xf32>
      %lt3A = vector.broadcast %get3A_230 : vector<512x1xf32> to vector<512x2048xf32>
      %lt3A_231 = arith.cmpf olt, %convert_element_type3A_225, %lt3A : vector<512x2048xf32>
      %jit3A = arith.constant 0.000000e+00 : f32
      %jit3A_232 = arith.constant -1.000000e+30 : f32
      %broadcast_in_dim3A_233 = vector.broadcast %jit3A : f32 to vector<512x2048xf32>
      %broadcast_in_dim3A_234 = vector.broadcast %jit3A_232 : f32 to vector<512x2048xf32>
      %select_n3A = arith.select %lt3A_231, %broadcast_in_dim3A_233, %broadcast_in_dim3A_234 : vector<512x2048xi1>, vector<512x2048xf32>
      %swap3A_235 = arith.constant 0 : index
      %swap3A_236 = arith.constant 0 : index
      %swap3A_237 = vector.load %arg9[%swap3A_235, %swap3A_236] : memref<512x2048xf32, #tpu.memory_space<vmem>>, vector<512x2048xf32>
      tpu.vector_store %arg9[%swap3A_235, %swap3A_236], %select_n3A {strides = array<i32>} : memref<512x2048xf32, #tpu.memory_space<vmem>>, vector<512x2048xf32>,
      %iota3A_238 = tpu.iota {dimensions = array<i32: 0>} : vector<512x512xi32>
      %jit3A_239 = arith.constant 16 : i32
      %div3A_240 = vector.broadcast %jit3A_239 : i32 to vector<512x512xi32>
      %div3A_241 = arith.divsi %iota3A_238, %div3A_240 : vector<512x512xi32>
      %sign3A = arith.constant 0 : i32
      %sign3A_242 = vector.broadcast %sign3A : i32 to vector<512x512xi32>
      %sign3A_243 = arith.cmpi sgt, %iota3A_238, %sign3A_242 : vector<512x512xi32>
      %sign3A_244 = arith.extui %sign3A_243 : vector<512x512xi1> to vector<512x512xi32>
      %sign3A_245 = arith.constant 0 : i32
      %sign3A_246 = vector.broadcast %sign3A_245 : i32 to vector<512x512xi32>
      %sign3A_247 = arith.cmpi slt, %iota3A_238, %sign3A_246 : vector<512x512xi32>
      %sign3A_248 = arith.extui %sign3A_247 : vector<512x512xi1> to vector<512x512xi32>
      %sign3A_249 = arith.subi %sign3A_244, %sign3A_248 : vector<512x512xi32>
      %sign3A_250 = arith.constant 0 : i32
      %sign3A_251 = arith.cmpi sgt, %jit3A_239, %sign3A_250 : i32
      %sign3A_252 = arith.extui %sign3A_251 : i1 to i32
      %sign3A_253 = arith.constant 0 : i32
      %sign3A_254 = arith.cmpi slt, %jit3A_239, %sign3A_253 : i32
      %sign3A_255 = arith.extui %sign3A_254 : i1 to i32
      %sign3A_256 = arith.subi %sign3A_252, %sign3A_255 : i32
      %ne3A = vector.broadcast %sign3A_256 : i32 to vector<512x512xi32>
      %ne3A_257 = arith.cmpi ne, %sign3A_249, %ne3A : vector<512x512xi32>
      %rem3A = vector.broadcast %jit3A_239 : i32 to vector<512x512xi32>
      %rem3A_258 = arith.remsi %iota3A_238, %rem3A : vector<512x512xi32>
      %ne3A_259 = arith.constant 0 : i32
      %ne3A_260 = vector.broadcast %ne3A_259 : i32 to vector<512x512xi32>
      %ne3A_261 = arith.cmpi ne, %rem3A_258, %ne3A_260 : vector<512x512xi32>
      %and3A = arith.andi %ne3A_257, %ne3A_261 : vector<512x512xi1>
      %sub3A = arith.constant 1 : i32
      %sub3A_262 = vector.broadcast %sub3A : i32 to vector<512x512xi32>
      %sub3A_263 = arith.subi %div3A_241, %sub3A_262 : vector<512x512xi32>
      %select_n3A_264 = arith.select %and3A, %sub3A_263, %div3A_241 : vector<512x512xi1>, vector<512x512xi32>
      %iota3A_265 = tpu.iota {dimensions = array<i32: 1>} : vector<512x512xi32>
      %jit3A_266 = arith.constant 16 : i32
      %div3A_267 = vector.broadcast %jit3A_266 : i32 to vector<512x512xi32>
      %div3A_268 = arith.divsi %iota3A_265, %div3A_267 : vector<512x512xi32>
      %sign3A_269 = arith.constant 0 : i32
      %sign3A_270 = vector.broadcast %sign3A_269 : i32 to vector<512x512xi32>
      %sign3A_271 = arith.cmpi sgt, %iota3A_265, %sign3A_270 : vector<512x512xi32>
      %sign3A_272 = arith.extui %sign3A_271 : vector<512x512xi1> to vector<512x512xi32>
      %sign3A_273 = arith.constant 0 : i32
      %sign3A_274 = vector.broadcast %sign3A_273 : i32 to vector<512x512xi32>
      %sign3A_275 = arith.cmpi slt, %iota3A_265, %sign3A_274 : vector<512x512xi32>
      %sign3A_276 = arith.extui %sign3A_275 : vector<512x512xi1> to vector<512x512xi32>
      %sign3A_277 = arith.subi %sign3A_272, %sign3A_276 : vector<512x512xi32>
      %sign3A_278 = arith.constant 0 : i32
      %sign3A_279 = arith.cmpi sgt, %jit3A_266, %sign3A_278 : i32
      %sign3A_280 = arith.extui %sign3A_279 : i1 to i32
      %sign3A_281 = arith.constant 0 : i32
      %sign3A_282 = arith.cmpi slt, %jit3A_266, %sign3A_281 : i32
      %sign3A_283 = arith.extui %sign3A_282 : i1 to i32
      %sign3A_284 = arith.subi %sign3A_280, %sign3A_283 : i32
      %ne3A_285 = vector.broadcast %sign3A_284 : i32 to vector<512x512xi32>
      %ne3A_286 = arith.cmpi ne, %sign3A_277, %ne3A_285 : vector<512x512xi32>
      %rem3A_287 = vector.broadcast %jit3A_266 : i32 to vector<512x512xi32>
      %rem3A_288 = arith.remsi %iota3A_265, %rem3A_287 : vector<512x512xi32>
      %ne3A_289 = arith.constant 0 : i32
      %ne3A_290 = vector.broadcast %ne3A_289 : i32 to vector<512x512xi32>
      %ne3A_291 = arith.cmpi ne, %rem3A_288, %ne3A_290 : vector<512x512xi32>
      %and3A_292 = arith.andi %ne3A_286, %ne3A_291 : vector<512x512xi1>
      %sub3A_293 = arith.constant 1 : i32
      %sub3A_294 = vector.broadcast %sub3A_293 : i32 to vector<512x512xi32>
      %sub3A_295 = arith.subi %div3A_268, %sub3A_294 : vector<512x512xi32>
      %select_n3A_296 = arith.select %and3A_292, %sub3A_295, %div3A_268 : vector<512x512xi1>, vector<512x512xi32>
      %eq3A_297 = arith.cmpi eq, %select_n3A_264, %select_n3A_296 : vector<512x512xi32>
      %jit3A_298 = arith.constant 0.000000e+00 : f32
      %jit3A_299 = arith.constant -1.000000e+30 : f32
      %broadcast_in_dim3A_300 = vector.broadcast %jit3A_298 : f32 to vector<512x512xf32>
      %broadcast_in_dim3A_301 = vector.broadcast %jit3A_299 : f32 to vector<512x512xf32>
      %select_n3A_302 = arith.select %eq3A_297, %broadcast_in_dim3A_300, %broadcast_in_dim3A_301 : vector<512x512xi1>, vector<512x512xf32>
      %swap3A_303 = arith.constant 0 : index
      %swap3A_304 = arith.constant 0 : index
      %swap3A_305 = vector.load %arg10[%swap3A_303, %swap3A_304] : memref<512x512xf32, #tpu.memory_space<vmem>>, vector<512x512xf32>
      tpu.vector_store %arg10[%swap3A_303, %swap3A_304], %select_n3A_302 {strides = array<i32>} : memref<512x512xf32, #tpu.memory_space<vmem>>, vector<512x512xf32>,
    } else {
    }
    %get3A = arith.constant 0 : index
    %get3A_2 = arith.constant 0 : index
    %get3A_3 = vector.load %arg9[%get3A, %get3A_2] : memref<512x2048xf32, #tpu.memory_space<vmem>>, vector<512x2048xf32>
    %get3A_4 = arith.constant 0 : index
    %get3A_5 = arith.constant 0 : index
    %get3A_6 = vector.load %arg10[%get3A_4, %get3A_5] : memref<512x512xf32, #tpu.memory_space<vmem>>, vector<512x512xf32>
    %get3A_7 = arith.constant 0 : index
    %get3A_8 = arith.constant 0 : index
    %get3A_9 = arith.constant 0 : index
    %get3A_10 = vector.load %arg2[%get3A_7, %get3A_8, %get3A_9] : memref<1x512x256xbf16, #tpu.memory_space<vmem>>, vector<1x512x256xbf16>
    %get3A_11 = vector.shape_cast %get3A_10 : vector<1x512x256xbf16> to vector<512x256xbf16>
    %slice3A = vector.extract_strided_slice %get3A_11 {offsets = [0, 0], sizes = [512, 64], strides = [1, 1]} : vector<512x256xbf16> to vector<512x64xbf16>
    %get3A_12 = arith.constant 0 : index
    %get3A_13 = arith.constant 0 : index
    %get3A_14 = arith.constant 0 : index
    %get3A_15 = vector.load %arg3[%get3A_12, %get3A_13, %get3A_14] : memref<1x2048x256xbf16, #tpu.memory_space<vmem>>, vector<1x2048x256xbf16>
    %get3A_16 = vector.shape_cast %get3A_15 : vector<1x2048x256xbf16> to vector<2048x256xbf16>
    %slice3A_17 = vector.extract_strided_slice %get3A_16 {offsets = [0, 0], sizes = [2048, 64], strides = [1, 1]} : vector<2048x256xbf16> to vector<2048x64xbf16>
    %dot_general3A = arith.constant dense<0.000000e+00> : vector<512x2048xf32>
    %dot_general3A_18 = tpu.matmul %slice3A, %slice3A_17, %dot_general3A {dimension_numbers = #tpu.dot_dimension_numbers<[1], [1], [0], [0], [0, 0, 1, 0], [], []>, transpose_lhs_hint = false} : vector<512x64xbf16>, vector<2048x64xbf16>, vector<512x2048xf32> -> vector<512x2048xf32>
    %add3A = arith.addf %dot_general3A_18, %get3A_3 : vector<512x2048xf32>
    %exp23A = math.exp2 %add3A : vector<512x2048xf32>
    %get3A_19 = arith.constant 0 : index
    %get3A_20 = arith.constant 0 : index
    %get3A_21 = arith.constant 0 : index
    %get3A_22 = vector.load %arg5[%get3A_19, %get3A_20, %get3A_21] : memref<1x512x256xbf16, #tpu.memory_space<vmem>>, vector<1x512x256xbf16>
    %get3A_23 = vector.shape_cast %get3A_22 : vector<1x512x256xbf16> to vector<512x256xbf16>
    %slice3A_24 = vector.extract_strided_slice %get3A_23 {offsets = [0, 0], sizes = [512, 64], strides = [1, 1]} : vector<512x256xbf16> to vector<512x64xbf16>
    %dot_general3A_25 = arith.constant dense<0.000000e+00> : vector<512x512xf32>
    %dot_general3A_26 = tpu.matmul %slice3A, %slice3A_24, %dot_general3A_25 {dimension_numbers = #tpu.dot_dimension_numbers<[1], [1], [0], [0], [0, 0, 1, 0], [], []>, transpose_lhs_hint = false} : vector<512x64xbf16>, vector<512x64xbf16>, vector<512x512xf32> -> vector<512x512xf32>
    %add3A_27 = arith.addf %dot_general3A_26, %get3A_6 : vector<512x512xf32>
    %exp23A_28 = math.exp2 %add3A_27 : vector<512x512xf32>
    %reduce_sum3A = arith.constant dense<0.000000e+00> : vector<512xf32>
    %reduce_sum3A_29 = vector.multi_reduction <add>, %exp23A, %reduce_sum3A [1] : vector<512x2048xf32> to vector<512xf32>
    %broadcast_in_dim3A = vector.shape_cast %reduce_sum3A_29 : vector<512xf32> to vector<512x1xf32>
    %reduce_sum3A_30 = arith.constant dense<0.000000e+00> : vector<512xf32>
    %reduce_sum3A_31 = vector.multi_reduction <add>, %exp23A_28, %reduce_sum3A_30 [1] : vector<512x512xf32> to vector<512xf32>
    %broadcast_in_dim3A_32 = vector.shape_cast %reduce_sum3A_31 : vector<512xf32> to vector<512x1xf32>
    %add3A_33 = arith.addf %broadcast_in_dim3A, %broadcast_in_dim3A_32 : vector<512x1xf32>
    %convert_element_type3A_34 = arith.truncf %exp23A : vector<512x2048xf32> to vector<512x2048xbf16>
    %get3A_35 = arith.constant 0 : index
    %get3A_36 = arith.constant 0 : index
    %get3A_37 = arith.constant 0 : index
    %get3A_38 = vector.load %arg4[%get3A_35, %get3A_36, %get3A_37] : memref<1x2048x256xbf16, #tpu.memory_space<vmem>>, vector<1x2048x256xbf16>
    %get3A_39 = vector.shape_cast %get3A_38 : vector<1x2048x256xbf16> to vector<2048x256xbf16>
    %slice3A_40 = vector.extract_strided_slice %get3A_39 {offsets = [0, 0], sizes = [2048, 64], strides = [1, 1]} : vector<2048x256xbf16> to vector<2048x64xbf16>
    %dot_general3A_41 = arith.constant dense<0.000000e+00> : vector<512x64xf32>
    %dot_general3A_42 = tpu.matmul %convert_element_type3A_34, %slice3A_40, %dot_general3A_41 {dimension_numbers = #tpu.dot_dimension_numbers<[1], [0], [0], [1], [0, 0, 1, 1], [], []>, transpose_lhs_hint = false} : vector<512x2048xbf16>, vector<2048x64xbf16>, vector<512x64xf32> -> vector<512x64xf32>
    %convert_element_type3A_43 = arith.truncf %exp23A_28 : vector<512x512xf32> to vector<512x512xbf16>
    %get3A_44 = arith.constant 0 : index
    %get3A_45 = arith.constant 0 : index
    %get3A_46 = arith.constant 0 : index
    %get3A_47 = vector.load %arg6[%get3A_44, %get3A_45, %get3A_46] : memref<1x512x256xbf16, #tpu.memory_space<vmem>>, vector<1x512x256xbf16>
    %get3A_48 = vector.shape_cast %get3A_47 : vector<1x512x256xbf16> to vector<512x256xbf16>
    %slice3A_49 = vector.extract_strided_slice %get3A_48 {offsets = [0, 0], sizes = [512, 64], strides = [1, 1]} : vector<512x256xbf16> to vector<512x64xbf16>
    %dot_general3A_50 = arith.constant dense<0.000000e+00> : vector<512x64xf32>
    %dot_general3A_51 = tpu.matmul %convert_element_type3A_43, %slice3A_49, %dot_general3A_50 {dimension_numbers = #tpu.dot_dimension_numbers<[1], [0], [0], [1], [0, 0, 1, 1], [], []>, transpose_lhs_hint = false} : vector<512x512xbf16>, vector<512x64xbf16>, vector<512x64xf32> -> vector<512x64xf32>
    %add3A_52 = arith.addf %dot_general3A_42, %dot_general3A_51 : vector<512x64xf32>
    %div3A = vector.broadcast %add3A_33 : vector<512x1xf32> to vector<512x64xf32>
    %div3A_53 = arith.divf %add3A_52, %div3A : vector<512x64xf32>
    %convert_element_type3A_54 = arith.truncf %div3A_53 : vector<512x64xf32> to vector<512x64xbf16>
    %get3A_55 = arith.constant 0 : index
    %get3A_56 = arith.constant 0 : index
    %get3A_57 = arith.constant 0 : index
    %get3A_58 = vector.load %arg2[%get3A_55, %get3A_56, %get3A_57] : memref<1x512x256xbf16, #tpu.memory_space<vmem>>, vector<1x512x256xbf16>
    %get3A_59 = vector.shape_cast %get3A_58 : vector<1x512x256xbf16> to vector<512x256xbf16>
    %slice3A_60 = vector.extract_strided_slice %get3A_59 {offsets = [0, 64], sizes = [512, 64], strides = [1, 1]} : vector<512x256xbf16> to vector<512x64xbf16>
    %get3A_61 = arith.constant 0 : index
    %get3A_62 = arith.constant 0 : index
    %get3A_63 = arith.constant 0 : index
    %get3A_64 = vector.load %arg3[%get3A_61, %get3A_62, %get3A_63] : memref<1x2048x256xbf16, #tpu.memory_space<vmem>>, vector<1x2048x256xbf16>
    %get3A_65 = vector.shape_cast %get3A_64 : vector<1x2048x256xbf16> to vector<2048x256xbf16>
    %slice3A_66 = vector.extract_strided_slice %get3A_65 {offsets = [0, 64], sizes = [2048, 64], strides = [1, 1]} : vector<2048x256xbf16> to vector<2048x64xbf16>
    %dot_general3A_67 = arith.constant dense<0.000000e+00> : vector<512x2048xf32>
    %dot_general3A_68 = tpu.matmul %slice3A_60, %slice3A_66, %dot_general3A_67 {dimension_numbers = #tpu.dot_dimension_numbers<[1], [1], [0], [0], [0, 0, 1, 0], [], []>, transpose_lhs_hint = false} : vector<512x64xbf16>, vector<2048x64xbf16>, vector<512x2048xf32> -> vector<512x2048xf32>
    %add3A_69 = arith.addf %dot_general3A_68, %get3A_3 : vector<512x2048xf32>
    %exp23A_70 = math.exp2 %add3A_69 : vector<512x2048xf32>
    %get3A_71 = arith.constant 0 : index
    %get3A_72 = arith.constant 0 : index
    %get3A_73 = arith.constant 0 : index
    %get3A_74 = vector.load %arg5[%get3A_71, %get3A_72, %get3A_73] : memref<1x512x256xbf16, #tpu.memory_space<vmem>>, vector<1x512x256xbf16>
    %get3A_75 = vector.shape_cast %get3A_74 : vector<1x512x256xbf16> to vector<512x256xbf16>
    %slice3A_76 = vector.extract_strided_slice %get3A_75 {offsets = [0, 64], sizes = [512, 64], strides = [1, 1]} : vector<512x256xbf16> to vector<512x64xbf16>
    %dot_general3A_77 = arith.constant dense<0.000000e+00> : vector<512x512xf32>
    %dot_general3A_78 = tpu.matmul %slice3A_60, %slice3A_76, %dot_general3A_77 {dimension_numbers = #tpu.dot_dimension_numbers<[1], [1], [0], [0], [0, 0, 1, 0], [], []>, transpose_lhs_hint = false} : vector<512x64xbf16>, vector<512x64xbf16>, vector<512x512xf32> -> vector<512x512xf32>
    %add3A_79 = arith.addf %dot_general3A_78, %get3A_6 : vector<512x512xf32>
    %exp23A_80 = math.exp2 %add3A_79 : vector<512x512xf32>
    %reduce_sum3A_81 = arith.constant dense<0.000000e+00> : vector<512xf32>
    %reduce_sum3A_82 = vector.multi_reduction <add>, %exp23A_70, %reduce_sum3A_81 [1] : vector<512x2048xf32> to vector<512xf32>
    %broadcast_in_dim3A_83 = vector.shape_cast %reduce_sum3A_82 : vector<512xf32> to vector<512x1xf32>
    %reduce_sum3A_84 = arith.constant dense<0.000000e+00> : vector<512xf32>
    %reduce_sum3A_85 = vector.multi_reduction <add>, %exp23A_80, %reduce_sum3A_84 [1] : vector<512x512xf32> to vector<512xf32>
    %broadcast_in_dim3A_86 = vector.shape_cast %reduce_sum3A_85 : vector<512xf32> to vector<512x1xf32>
    %add3A_87 = arith.addf %broadcast_in_dim3A_83, %broadcast_in_dim3A_86 : vector<512x1xf32>
    %convert_element_type3A_88 = arith.truncf %exp23A_70 : vector<512x2048xf32> to vector<512x2048xbf16>
    %get3A_89 = arith.constant 0 : index
    %get3A_90 = arith.constant 0 : index
    %get3A_91 = arith.constant 0 : index
    %get3A_92 = vector.load %arg4[%get3A_89, %get3A_90, %get3A_91] : memref<1x2048x256xbf16, #tpu.memory_space<vmem>>, vector<1x2048x256xbf16>
    %get3A_93 = vector.shape_cast %get3A_92 : vector<1x2048x256xbf16> to vector<2048x256xbf16>
    %slice3A_94 = vector.extract_strided_slice %get3A_93 {offsets = [0, 64], sizes = [2048, 64], strides = [1, 1]} : vector<2048x256xbf16> to vector<2048x64xbf16>
    %dot_general3A_95 = arith.constant dense<0.000000e+00> : vector<512x64xf32>
    %dot_general3A_96 = tpu.matmul %convert_element_type3A_88, %slice3A_94, %dot_general3A_95 {dimension_numbers = #tpu.dot_dimension_numbers<[1], [0], [0], [1], [0, 0, 1, 1], [], []>, transpose_lhs_hint = false} : vector<512x2048xbf16>, vector<2048x64xbf16>, vector<512x64xf32> -> vector<512x64xf32>
    %convert_element_type3A_97 = arith.truncf %exp23A_80 : vector<512x512xf32> to vector<512x512xbf16>
    %get3A_98 = arith.constant 0 : index
    %get3A_99 = arith.constant 0 : index
    %get3A_100 = arith.constant 0 : index
    %get3A_101 = vector.load %arg6[%get3A_98, %get3A_99, %get3A_100] : memref<1x512x256xbf16, #tpu.memory_space<vmem>>, vector<1x512x256xbf16>
    %get3A_102 = vector.shape_cast %get3A_101 : vector<1x512x256xbf16> to vector<512x256xbf16>
    %slice3A_103 = vector.extract_strided_slice %get3A_102 {offsets = [0, 64], sizes = [512, 64], strides = [1, 1]} : vector<512x256xbf16> to vector<512x64xbf16>
    %dot_general3A_104 = arith.constant dense<0.000000e+00> : vector<512x64xf32>
    %dot_general3A_105 = tpu.matmul %convert_element_type3A_97, %slice3A_103, %dot_general3A_104 {dimension_numbers = #tpu.dot_dimension_numbers<[1], [0], [0], [1], [0, 0, 1, 1], [], []>, transpose_lhs_hint = false} : vector<512x512xbf16>, vector<512x64xbf16>, vector<512x64xf32> -> vector<512x64xf32>
    %add3A_106 = arith.addf %dot_general3A_96, %dot_general3A_105 : vector<512x64xf32>
    %div3A_107 = vector.broadcast %add3A_87 : vector<512x1xf32> to vector<512x64xf32>
    %div3A_108 = arith.divf %add3A_106, %div3A_107 : vector<512x64xf32>
    %convert_element_type3A_109 = arith.truncf %div3A_108 : vector<512x64xf32> to vector<512x64xbf16>
    %get3A_110 = arith.constant 0 : index
    %get3A_111 = arith.constant 0 : index
    %get3A_112 = arith.constant 0 : index
    %get3A_113 = vector.load %arg2[%get3A_110, %get3A_111, %get3A_112] : memref<1x512x256xbf16, #tpu.memory_space<vmem>>, vector<1x512x256xbf16>
    %get3A_114 = vector.shape_cast %get3A_113 : vector<1x512x256xbf16> to vector<512x256xbf16>
    %slice3A_115 = vector.extract_strided_slice %get3A_114 {offsets = [0, 128], sizes = [512, 64], strides = [1, 1]} : vector<512x256xbf16> to vector<512x64xbf16>
    %get3A_116 = arith.constant 0 : index
    %get3A_117 = arith.constant 0 : index
    %get3A_118 = arith.constant 0 : index
    %get3A_119 = vector.load %arg3[%get3A_116, %get3A_117, %get3A_118] : memref<1x2048x256xbf16, #tpu.memory_space<vmem>>, vector<1x2048x256xbf16>
    %get3A_120 = vector.shape_cast %get3A_119 : vector<1x2048x256xbf16> to vector<2048x256xbf16>
    %slice3A_121 = vector.extract_strided_slice %get3A_120 {offsets = [0, 128], sizes = [2048, 64], strides = [1, 1]} : vector<2048x256xbf16> to vector<2048x64xbf16>
    %dot_general3A_122 = arith.constant dense<0.000000e+00> : vector<512x2048xf32>
    %dot_general3A_123 = tpu.matmul %slice3A_115, %slice3A_121, %dot_general3A_122 {dimension_numbers = #tpu.dot_dimension_numbers<[1], [1], [0], [0], [0, 0, 1, 0], [], []>, transpose_lhs_hint = false} : vector<512x64xbf16>, vector<2048x64xbf16>, vector<512x2048xf32> -> vector<512x2048xf32>
    %add3A_124 = arith.addf %dot_general3A_123, %get3A_3 : vector<512x2048xf32>
    %exp23A_125 = math.exp2 %add3A_124 : vector<512x2048xf32>
    %get3A_126 = arith.constant 0 : index
    %get3A_127 = arith.constant 0 : index
    %get3A_128 = arith.constant 0 : index
    %get3A_129 = vector.load %arg5[%get3A_126, %get3A_127, %get3A_128] : memref<1x512x256xbf16, #tpu.memory_space<vmem>>, vector<1x512x256xbf16>
    %get3A_130 = vector.shape_cast %get3A_129 : vector<1x512x256xbf16> to vector<512x256xbf16>
    %slice3A_131 = vector.extract_strided_slice %get3A_130 {offsets = [0, 128], sizes = [512, 64], strides = [1, 1]} : vector<512x256xbf16> to vector<512x64xbf16>
    %dot_general3A_132 = arith.constant dense<0.000000e+00> : vector<512x512xf32>
    %dot_general3A_133 = tpu.matmul %slice3A_115, %slice3A_131, %dot_general3A_132 {dimension_numbers = #tpu.dot_dimension_numbers<[1], [1], [0], [0], [0, 0, 1, 0], [], []>, transpose_lhs_hint = false} : vector<512x64xbf16>, vector<512x64xbf16>, vector<512x512xf32> -> vector<512x512xf32>
    %add3A_134 = arith.addf %dot_general3A_133, %get3A_6 : vector<512x512xf32>
    %exp23A_135 = math.exp2 %add3A_134 : vector<512x512xf32>
    %reduce_sum3A_136 = arith.constant dense<0.000000e+00> : vector<512xf32>
    %reduce_sum3A_137 = vector.multi_reduction <add>, %exp23A_125, %reduce_sum3A_136 [1] : vector<512x2048xf32> to vector<512xf32>
    %broadcast_in_dim3A_138 = vector.shape_cast %reduce_sum3A_137 : vector<512xf32> to vector<512x1xf32>
    %reduce_sum3A_139 = arith.constant dense<0.000000e+00> : vector<512xf32>
    %reduce_sum3A_140 = vector.multi_reduction <add>, %exp23A_135, %reduce_sum3A_139 [1] : vector<512x512xf32> to vector<512xf32>
    %broadcast_in_dim3A_141 = vector.shape_cast %reduce_sum3A_140 : vector<512xf32> to vector<512x1xf32>
    %add3A_142 = arith.addf %broadcast_in_dim3A_138, %broadcast_in_dim3A_141 : vector<512x1xf32>
    %convert_element_type3A_143 = arith.truncf %exp23A_125 : vector<512x2048xf32> to vector<512x2048xbf16>
    %get3A_144 = arith.constant 0 : index
    %get3A_145 = arith.constant 0 : index
    %get3A_146 = arith.constant 0 : index
    %get3A_147 = vector.load %arg4[%get3A_144, %get3A_145, %get3A_146] : memref<1x2048x256xbf16, #tpu.memory_space<vmem>>, vector<1x2048x256xbf16>
    %get3A_148 = vector.shape_cast %get3A_147 : vector<1x2048x256xbf16> to vector<2048x256xbf16>
    %slice3A_149 = vector.extract_strided_slice %get3A_148 {offsets = [0, 128], sizes = [2048, 64], strides = [1, 1]} : vector<2048x256xbf16> to vector<2048x64xbf16>
    %dot_general3A_150 = arith.constant dense<0.000000e+00> : vector<512x64xf32>
    %dot_general3A_151 = tpu.matmul %convert_element_type3A_143, %slice3A_149, %dot_general3A_150 {dimension_numbers = #tpu.dot_dimension_numbers<[1], [0], [0], [1], [0, 0, 1, 1], [], []>, transpose_lhs_hint = false} : vector<512x2048xbf16>, vector<2048x64xbf16>, vector<512x64xf32> -> vector<512x64xf32>
    %convert_element_type3A_152 = arith.truncf %exp23A_135 : vector<512x512xf32> to vector<512x512xbf16>
    %get3A_153 = arith.constant 0 : index
    %get3A_154 = arith.constant 0 : index
    %get3A_155 = arith.constant 0 : index
    %get3A_156 = vector.load %arg6[%get3A_153, %get3A_154, %get3A_155] : memref<1x512x256xbf16, #tpu.memory_space<vmem>>, vector<1x512x256xbf16>
    %get3A_157 = vector.shape_cast %get3A_156 : vector<1x512x256xbf16> to vector<512x256xbf16>
    %slice3A_158 = vector.extract_strided_slice %get3A_157 {offsets = [0, 128], sizes = [512, 64], strides = [1, 1]} : vector<512x256xbf16> to vector<512x64xbf16>
    %dot_general3A_159 = arith.constant dense<0.000000e+00> : vector<512x64xf32>
    %dot_general3A_160 = tpu.matmul %convert_element_type3A_152, %slice3A_158, %dot_general3A_159 {dimension_numbers = #tpu.dot_dimension_numbers<[1], [0], [0], [1], [0, 0, 1, 1], [], []>, transpose_lhs_hint = false} : vector<512x512xbf16>, vector<512x64xbf16>, vector<512x64xf32> -> vector<512x64xf32>
    %add3A_161 = arith.addf %dot_general3A_151, %dot_general3A_160 : vector<512x64xf32>
    %div3A_162 = vector.broadcast %add3A_142 : vector<512x1xf32> to vector<512x64xf32>
    %div3A_163 = arith.divf %add3A_161, %div3A_162 : vector<512x64xf32>
    %convert_element_type3A_164 = arith.truncf %div3A_163 : vector<512x64xf32> to vector<512x64xbf16>
    %get3A_165 = arith.constant 0 : index
    %get3A_166 = arith.constant 0 : index
    %get3A_167 = arith.constant 0 : index
    %get3A_168 = vector.load %arg2[%get3A_165, %get3A_166, %get3A_167] : memref<1x512x256xbf16, #tpu.memory_space<vmem>>, vector<1x512x256xbf16>
    %get3A_169 = vector.shape_cast %get3A_168 : vector<1x512x256xbf16> to vector<512x256xbf16>
    %slice3A_170 = vector.extract_strided_slice %get3A_169 {offsets = [0, 192], sizes = [512, 64], strides = [1, 1]} : vector<512x256xbf16> to vector<512x64xbf16>
    %get3A_171 = arith.constant 0 : index
    %get3A_172 = arith.constant 0 : index
    %get3A_173 = arith.constant 0 : index
    %get3A_174 = vector.load %arg3[%get3A_171, %get3A_172, %get3A_173] : memref<1x2048x256xbf16, #tpu.memory_space<vmem>>, vector<1x2048x256xbf16>
    %get3A_175 = vector.shape_cast %get3A_174 : vector<1x2048x256xbf16> to vector<2048x256xbf16>
    %slice3A_176 = vector.extract_strided_slice %get3A_175 {offsets = [0, 192], sizes = [2048, 64], strides = [1, 1]} : vector<2048x256xbf16> to vector<2048x64xbf16>
    %dot_general3A_177 = arith.constant dense<0.000000e+00> : vector<512x2048xf32>
    %dot_general3A_178 = tpu.matmul %slice3A_170, %slice3A_176, %dot_general3A_177 {dimension_numbers = #tpu.dot_dimension_numbers<[1], [1], [0], [0], [0, 0, 1, 0], [], []>, transpose_lhs_hint = false} : vector<512x64xbf16>, vector<2048x64xbf16>, vector<512x2048xf32> -> vector<512x2048xf32>
    %add3A_179 = arith.addf %dot_general3A_178, %get3A_3 : vector<512x2048xf32>
    %exp23A_180 = math.exp2 %add3A_179 : vector<512x2048xf32>
    %get3A_181 = arith.constant 0 : index
    %get3A_182 = arith.constant 0 : index
    %get3A_183 = arith.constant 0 : index
    %get3A_184 = vector.load %arg5[%get3A_181, %get3A_182, %get3A_183] : memref<1x512x256xbf16, #tpu.memory_space<vmem>>, vector<1x512x256xbf16>
    %get3A_185 = vector.shape_cast %get3A_184 : vector<1x512x256xbf16> to vector<512x256xbf16>
    %slice3A_186 = vector.extract_strided_slice %get3A_185 {offsets = [0, 192], sizes = [512, 64], strides = [1, 1]} : vector<512x256xbf16> to vector<512x64xbf16>
    %dot_general3A_187 = arith.constant dense<0.000000e+00> : vector<512x512xf32>
    %dot_general3A_188 = tpu.matmul %slice3A_170, %slice3A_186, %dot_general3A_187 {dimension_numbers = #tpu.dot_dimension_numbers<[1], [1], [0], [0], [0, 0, 1, 0], [], []>, transpose_lhs_hint = false} : vector<512x64xbf16>, vector<512x64xbf16>, vector<512x512xf32> -> vector<512x512xf32>
    %add3A_189 = arith.addf %dot_general3A_188, %get3A_6 : vector<512x512xf32>
    %exp23A_190 = math.exp2 %add3A_189 : vector<512x512xf32>
    %reduce_sum3A_191 = arith.constant dense<0.000000e+00> : vector<512xf32>
    %reduce_sum3A_192 = vector.multi_reduction <add>, %exp23A_180, %reduce_sum3A_191 [1] : vector<512x2048xf32> to vector<512xf32>
    %broadcast_in_dim3A_193 = vector.shape_cast %reduce_sum3A_192 : vector<512xf32> to vector<512x1xf32>
    %reduce_sum3A_194 = arith.constant dense<0.000000e+00> : vector<512xf32>
    %reduce_sum3A_195 = vector.multi_reduction <add>, %exp23A_190, %reduce_sum3A_194 [1] : vector<512x512xf32> to vector<512xf32>
    %broadcast_in_dim3A_196 = vector.shape_cast %reduce_sum3A_195 : vector<512xf32> to vector<512x1xf32>
    %add3A_197 = arith.addf %broadcast_in_dim3A_193, %broadcast_in_dim3A_196 : vector<512x1xf32>
    %convert_element_type3A_198 = arith.truncf %exp23A_180 : vector<512x2048xf32> to vector<512x2048xbf16>
    %get3A_199 = arith.constant 0 : index
    %get3A_200 = arith.constant 0 : index
    %get3A_201 = arith.constant 0 : index
    %get3A_202 = vector.load %arg4[%get3A_199, %get3A_200, %get3A_201] : memref<1x2048x256xbf16, #tpu.memory_space<vmem>>, vector<1x2048x256xbf16>
    %get3A_203 = vector.shape_cast %get3A_202 : vector<1x2048x256xbf16> to vector<2048x256xbf16>
    %slice3A_204 = vector.extract_strided_slice %get3A_203 {offsets = [0, 192], sizes = [2048, 64], strides = [1, 1]} : vector<2048x256xbf16> to vector<2048x64xbf16>
    %dot_general3A_205 = arith.constant dense<0.000000e+00> : vector<512x64xf32>
    %dot_general3A_206 = tpu.matmul %convert_element_type3A_198, %slice3A_204, %dot_general3A_205 {dimension_numbers = #tpu.dot_dimension_numbers<[1], [0], [0], [1], [0, 0, 1, 1], [], []>, transpose_lhs_hint = false} : vector<512x2048xbf16>, vector<2048x64xbf16>, vector<512x64xf32> -> vector<512x64xf32>
    %convert_element_type3A_207 = arith.truncf %exp23A_190 : vector<512x512xf32> to vector<512x512xbf16>
    %get3A_208 = arith.constant 0 : index
    %get3A_209 = arith.constant 0 : index
    %get3A_210 = arith.constant 0 : index
    %get3A_211 = vector.load %arg6[%get3A_208, %get3A_209, %get3A_210] : memref<1x512x256xbf16, #tpu.memory_space<vmem>>, vector<1x512x256xbf16>
    %get3A_212 = vector.shape_cast %get3A_211 : vector<1x512x256xbf16> to vector<512x256xbf16>
    %slice3A_213 = vector.extract_strided_slice %get3A_212 {offsets = [0, 192], sizes = [512, 64], strides = [1, 1]} : vector<512x256xbf16> to vector<512x64xbf16>
    %dot_general3A_214 = arith.constant dense<0.000000e+00> : vector<512x64xf32>
    %dot_general3A_215 = tpu.matmul %convert_element_type3A_207, %slice3A_213, %dot_general3A_214 {dimension_numbers = #tpu.dot_dimension_numbers<[1], [0], [0], [1], [0, 0, 1, 1], [], []>, transpose_lhs_hint = false} : vector<512x512xbf16>, vector<512x64xbf16>, vector<512x64xf32> -> vector<512x64xf32>
    %add3A_216 = arith.addf %dot_general3A_206, %dot_general3A_215 : vector<512x64xf32>
    %div3A_217 = vector.broadcast %add3A_197 : vector<512x1xf32> to vector<512x64xf32>
    %div3A_218 = arith.divf %add3A_216, %div3A_217 : vector<512x64xf32>
    %convert_element_type3A_219 = arith.truncf %div3A_218 : vector<512x64xf32> to vector<512x64xbf16>
    %concatenate3A = tpu.concatenate %convert_element_type3A_54, %convert_element_type3A_109, %convert_element_type3A_164, %convert_element_type3A_219 in 1 : vector<512x64xbf16>, vector<512x64xbf16>, vector<512x64xbf16>, vector<512x64xbf16> -> vector<512x256xbf16>
    %swap3A = arith.constant 0 : index
    %swap3A_220 = arith.constant 0 : index
    %swap3A_221 = arith.constant 0 : index
    %swap3A_222 = vector.load %arg8[%swap3A, %swap3A_220, %swap3A_221] : memref<1x512x256xbf16, #tpu.memory_space<vmem>>, vector<1x512x256xbf16>
    %swap3A_223 = vector.shape_cast %swap3A_222 : vector<1x512x256xbf16> to vector<512x256xbf16>
    %swap3A_224 = vector.shape_cast %concatenate3A : vector<512x256xbf16> to vector<1x512x256xbf16>
    tpu.vector_store %arg8[%swap3A, %swap3A_220, %swap3A_221], %swap3A_224 {strides = array<i32>} : memref<1x512x256xbf16, #tpu.memory_space<vmem>>, vector<1x512x256xbf16>,
    return
  }
  func.func @transform_0(%arg0: i32, %arg1: i32) -> (i32, i32, i32) {
    %c0_i32 = arith.constant 0 : i32
    %c0_i32_0 = arith.constant 0 : i32
    return %arg0, %c0_i32, %arg1 : i32, i32, i32
  }
  func.func @transform_1(%arg0: i32, %arg1: i32) -> (i32, i32, i32) {
    %c0_i32 = arith.constant 0 : i32
    %c0_i32_0 = arith.constant 0 : i32
    return %arg0, %c0_i32, %arg1 : i32, i32, i32
  }
  func.func @transform_2(%arg0: i32, %arg1: i32) -> (i32, i32, i32) {
    %c0_i32 = arith.constant 0 : i32
    %c0_i32_0 = arith.constant 0 : i32
    return %arg0, %c0_i32, %arg1 : i32, i32, i32
  }
  func.func @transform_3(%arg0: i32, %arg1: i32) -> (i32, i32, i32) {
    %c0_i32 = arith.constant 0 : i32
    %c0_i32_0 = arith.constant 0 : i32
    return %arg0, %c0_i32, %arg1 : i32, i32, i32
  }
  func.func @transform_4(%arg0: i32, %arg1: i32) -> (i32, i32, i32) {
    %c0_i32 = arith.constant 0 : i32
    %c0_i32_0 = arith.constant 0 : i32
    return %arg0, %c0_i32, %arg1 : i32, i32, i32
  }
  func.func @transform_5(%arg0: i32, %arg1: i32) -> (i32, i32, i32) {
    %c0_i32 = arith.constant 0 : i32
    %c0_i32_0 = arith.constant 0 : i32
    %c0_i32_1 = arith.constant 0 : i32
    return %arg0, %c0_i32, %c0_i32_0 : i32, i32, i32
  }
  func.func @transform_6(%arg0: i32, %arg1: i32) -> (i32, i32, i32) {
    %c0_i32 = arith.constant 0 : i32
    %c0_i32_0 = arith.constant 0 : i32
    return %arg0, %c0_i32, %arg1 : i32, i32, i32
  }
}

module attributes {stable_mosaic.version = 14 : i64} {
  func.func @_mlp_body(%arg0: i32, %arg1: memref<1024x1024xbf16, #tpu.memory_space<vmem>>, %arg2: memref<1024x1024xf32, #tpu.memory_space<vmem>>, %arg3: memref<1024x1024xf32, #tpu.memory_space<vmem>>, %arg4: memref<1024x1024xf32, #tpu.memory_space<vmem>>, %arg5: memref<1024x1024xf32, #tpu.memory_space<vmem>>, %arg6: memref<1x1024xf32, #tpu.memory_space<vmem>>, %arg7: memref<1024x1024xbf16, #tpu.memory_space<vmem>>, %arg8: memref<1024x1024xf32, #tpu.memory_space<vmem>>, %arg9: memref<1024x1024xf32, #tpu.memory_space<vmem>>) attributes {dimension_semantics = [#tpu.dimension_semantics<arbitrary>], iteration_bounds = array<i64: 4>, scalar_prefetch = 0 : i64, scratch_operands = 2 : i64, tpu.core_type = #tpu.core_type<tc>, window_params = [{pipeline_mode = #tpu.pipeline_mode<synchronous>, transform_indices = @transform_0, window_bounds = array<i64: 1024, 1024>}, {pipeline_mode = #tpu.pipeline_mode<synchronous>, transform_indices = @transform_1, window_bounds = array<i64: 1024, 1024>}, {pipeline_mode = #tpu.pipeline_mode<synchronous>, transform_indices = @transform_2, window_bounds = array<i64: 1024, 1024>}, {transform_indices = @transform_3, window_bounds = array<i64: 1024, 1024>}, {transform_indices = @transform_4, window_bounds = array<i64: 1024, 1024>}, {pipeline_mode = #tpu.pipeline_mode<synchronous>, transform_indices = @transform_5, window_bounds = array<i64: 1, 1024>}, {pipeline_mode = #tpu.pipeline_mode<synchronous>, transform_indices = @transform_6, window_bounds = array<i64: 1024, 1024>}]} {
    %eq3A = arith.constant 0 : i32
    %eq3A_0 = arith.cmpi eq, %arg0, %eq3A : i32
    %convert_element_type3A = arith.extui %eq3A_0 : i1 to i32
    %cond3A = arith.constant 0 : i32
    %cond3A_1 = arith.cmpi ne, %convert_element_type3A, %cond3A : i32
    scf.if %cond3A_1 {
      %get3A_29 = arith.constant 0 : index
      %get3A_30 = arith.constant 0 : index
      %get3A_31 = vector.load %arg2[%get3A_29, %get3A_30] : memref<1024x1024xf32, #tpu.memory_space<vmem>>, vector<1024x1024xf32>
      %get3A_32 = arith.constant 0 : index
      %get3A_33 = arith.constant 0 : index
      %get3A_34 = vector.load %arg1[%get3A_32, %get3A_33] : memref<1024x1024xbf16, #tpu.memory_space<vmem>>, vector<1024x1024xbf16>
      %get3A_35 = arith.constant 0 : index
      %get3A_36 = arith.constant 0 : index
      %get3A_37 = vector.load %arg3[%get3A_35, %get3A_36] : memref<1024x1024xf32, #tpu.memory_space<vmem>>, vector<1024x1024xf32>
      %convert_element_type3A_38 = arith.truncf %get3A_37 : vector<1024x1024xf32> to vector<1024x1024xbf16>
      %dot_general3A_39 = arith.constant dense<0.000000e+00> : vector<1024x1024xf32>
      %dot_general3A_40 = tpu.matmul %get3A_34, %convert_element_type3A_38, %dot_general3A_39 {dimension_numbers = #tpu.dot_dimension_numbers<[1], [0], [0], [1], [0, 0, 1, 1], [], []>, transpose_lhs_hint = false} : vector<1024x1024xbf16>, vector<1024x1024xbf16>, vector<1024x1024xf32> -> vector<1024x1024xf32>
      %add3A_41 = arith.addf %get3A_31, %dot_general3A_40 : vector<1024x1024xf32>
      %swap3A_42 = arith.constant 0 : index
      %swap3A_43 = arith.constant 0 : index
      %swap3A_44 = vector.load %arg8[%swap3A_42, %swap3A_43] : memref<1024x1024xf32, #tpu.memory_space<vmem>>, vector<1024x1024xf32>
      tpu.vector_store %arg8[%swap3A_42, %swap3A_43], %add3A_41 {strides = array<i32>} : memref<1024x1024xf32, #tpu.memory_space<vmem>>, vector<1024x1024xf32>,
      %broadcast_in_dim3A = arith.constant 0.000000e+00 : f32
      %broadcast_in_dim3A_45 = vector.broadcast %broadcast_in_dim3A : f32 to vector<1024x1024xf32>
      %swap3A_46 = arith.constant 0 : index
      %swap3A_47 = arith.constant 0 : index
      %swap3A_48 = vector.load %arg9[%swap3A_46, %swap3A_47] : memref<1024x1024xf32, #tpu.memory_space<vmem>>, vector<1024x1024xf32>
      tpu.vector_store %arg9[%swap3A_46, %swap3A_47], %broadcast_in_dim3A_45 {strides = array<i32>} : memref<1024x1024xf32, #tpu.memory_space<vmem>>, vector<1024x1024xf32>,
    } else {
    }
    %get3A = arith.constant 0 : index
    %get3A_2 = arith.constant 0 : index
    %get3A_3 = vector.load %arg8[%get3A, %get3A_2] : memref<1024x1024xf32, #tpu.memory_space<vmem>>, vector<1024x1024xf32>
    %convert_element_type3A_4 = arith.truncf %get3A_3 : vector<1024x1024xf32> to vector<1024x1024xbf16>
    %get3A_5 = arith.constant 0 : index
    %get3A_6 = arith.constant 0 : index
    %get3A_7 = vector.load %arg4[%get3A_5, %get3A_6] : memref<1024x1024xf32, #tpu.memory_space<vmem>>, vector<1024x1024xf32>
    %convert_element_type3A_8 = arith.truncf %get3A_7 : vector<1024x1024xf32> to vector<1024x1024xbf16>
    %dot_general3A = arith.constant dense<0.000000e+00> : vector<1024x1024xf32>
    %dot_general3A_9 = tpu.matmul %convert_element_type3A_4, %convert_element_type3A_8, %dot_general3A {dimension_numbers = #tpu.dot_dimension_numbers<[1], [0], [0], [1], [0, 0, 1, 1], [], []>, transpose_lhs_hint = false} : vector<1024x1024xbf16>, vector<1024x1024xbf16>, vector<1024x1024xf32> -> vector<1024x1024xf32>
    %max3A = arith.constant 0.000000e+00 : f32
    %max3A_10 = vector.broadcast %max3A : f32 to vector<1024x1024xf32>
    %max3A_11 = arith.maximumf %dot_general3A_9, %max3A_10 : vector<1024x1024xf32>
    %get3A_12 = arith.constant 0 : index
    %get3A_13 = arith.constant 0 : index
    %get3A_14 = vector.load %arg9[%get3A_12, %get3A_13] : memref<1024x1024xf32, #tpu.memory_space<vmem>>, vector<1024x1024xf32>
    %convert_element_type3A_15 = arith.truncf %max3A_11 : vector<1024x1024xf32> to vector<1024x1024xbf16>
    %get3A_16 = arith.constant 0 : index
    %get3A_17 = arith.constant 0 : index
    %get3A_18 = vector.load %arg5[%get3A_16, %get3A_17] : memref<1024x1024xf32, #tpu.memory_space<vmem>>, vector<1024x1024xf32>
    %convert_element_type3A_19 = arith.truncf %get3A_18 : vector<1024x1024xf32> to vector<1024x1024xbf16>
    %dot_general3A_20 = arith.constant dense<0.000000e+00> : vector<1024x1024xf32>
    %dot_general3A_21 = tpu.matmul %convert_element_type3A_15, %convert_element_type3A_19, %dot_general3A_20 {dimension_numbers = #tpu.dot_dimension_numbers<[1], [0], [0], [1], [0, 0, 1, 1], [], []>, transpose_lhs_hint = false} : vector<1024x1024xbf16>, vector<1024x1024xbf16>, vector<1024x1024xf32> -> vector<1024x1024xf32>
    %add3A = arith.addf %get3A_14, %dot_general3A_21 : vector<1024x1024xf32>
    %swap3A = arith.constant 0 : index
    %swap3A_22 = arith.constant 0 : index
    %swap3A_23 = vector.load %arg9[%swap3A, %swap3A_22] : memref<1024x1024xf32, #tpu.memory_space<vmem>>, vector<1024x1024xf32>
    tpu.vector_store %arg9[%swap3A, %swap3A_22], %add3A {strides = array<i32>} : memref<1024x1024xf32, #tpu.memory_space<vmem>>, vector<1024x1024xf32>,
    %eq3A_24 = arith.constant 3 : i32
    %eq3A_25 = arith.cmpi eq, %arg0, %eq3A_24 : i32
    %convert_element_type3A_26 = arith.extui %eq3A_25 : i1 to i32
    %cond3A_27 = arith.constant 0 : i32
    %cond3A_28 = arith.cmpi ne, %convert_element_type3A_26, %cond3A_27 : i32
    scf.if %cond3A_28 {
      %get3A_29 = arith.constant 0 : index
      %get3A_30 = arith.constant 0 : index
      %get3A_31 = vector.load %arg8[%get3A_29, %get3A_30] : memref<1024x1024xf32, #tpu.memory_space<vmem>>, vector<1024x1024xf32>
      %get3A_32 = arith.constant 0 : index
      %get3A_33 = arith.constant 0 : index
      %get3A_34 = vector.load %arg9[%get3A_32, %get3A_33] : memref<1024x1024xf32, #tpu.memory_space<vmem>>, vector<1024x1024xf32>
      %add3A_35 = arith.addf %get3A_31, %get3A_34 : vector<1024x1024xf32>
      %mul3A = arith.mulf %add3A_35, %add3A_35 : vector<1024x1024xf32>
      %reduce_sum3A = arith.constant dense<0.000000e+00> : vector<1024xf32>
      %reduce_sum3A_36 = vector.multi_reduction <add>, %mul3A, %reduce_sum3A [1] : vector<1024x1024xf32> to vector<1024xf32>
      %broadcast_in_dim3A = vector.shape_cast %reduce_sum3A_36 : vector<1024xf32> to vector<1024x1xf32>
      %div3A = arith.constant 1.024000e+03 : f32
      %div3A_37 = vector.broadcast %div3A : f32 to vector<1024x1xf32>
      %div3A_38 = arith.divf %broadcast_in_dim3A, %div3A_37 : vector<1024x1xf32>
      %add3A_39 = arith.constant 9.99999997E-7 : f32
      %add3A_40 = vector.broadcast %add3A_39 : f32 to vector<1024x1xf32>
      %add3A_41 = arith.addf %div3A_38, %add3A_40 : vector<1024x1xf32>
      %rsqrt3A = math.rsqrt %add3A_41 : vector<1024x1xf32>
      %mul3A_42 = vector.broadcast %rsqrt3A : vector<1024x1xf32> to vector<1024x1024xf32>
      %mul3A_43 = arith.mulf %add3A_35, %mul3A_42 : vector<1024x1024xf32>
      %get3A_44 = arith.constant 0 : index
      %get3A_45 = arith.constant 0 : index
      %get3A_46 = vector.load %arg6[%get3A_44, %get3A_45] : memref<1x1024xf32, #tpu.memory_space<vmem>>, vector<1x1024xf32>
      %mul3A_47 = vector.broadcast %get3A_46 : vector<1x1024xf32> to vector<1024x1024xf32>
      %mul3A_48 = arith.mulf %mul3A_43, %mul3A_47 : vector<1024x1024xf32>
      %convert_element_type3A_49 = arith.truncf %mul3A_48 : vector<1024x1024xf32> to vector<1024x1024xbf16>
      %swap3A_50 = arith.constant 0 : index
      %swap3A_51 = arith.constant 0 : index
      %swap3A_52 = vector.load %arg7[%swap3A_50, %swap3A_51] : memref<1024x1024xbf16, #tpu.memory_space<vmem>>, vector<1024x1024xbf16>
      tpu.vector_store %arg7[%swap3A_50, %swap3A_51], %convert_element_type3A_49 {strides = array<i32>} : memref<1024x1024xbf16, #tpu.memory_space<vmem>>, vector<1024x1024xbf16>,
    } else {
    }
    return
  }
  func.func @transform_0(%arg0: i32) -> (i32, i32) {
    %c0_i32 = arith.constant 0 : i32
    %c0_i32_0 = arith.constant 0 : i32
    %c0_i32_1 = arith.constant 0 : i32
    return %c0_i32, %c0_i32_0 : i32, i32
  }
  func.func @transform_1(%arg0: i32) -> (i32, i32) {
    %c0_i32 = arith.constant 0 : i32
    %c0_i32_0 = arith.constant 0 : i32
    %c0_i32_1 = arith.constant 0 : i32
    return %c0_i32, %c0_i32_0 : i32, i32
  }
  func.func @transform_2(%arg0: i32) -> (i32, i32) {
    %c0_i32 = arith.constant 0 : i32
    %c0_i32_0 = arith.constant 0 : i32
    %c0_i32_1 = arith.constant 0 : i32
    return %c0_i32, %c0_i32_0 : i32, i32
  }
  func.func @transform_3(%arg0: i32) -> (i32, i32) {
    %c0_i32 = arith.constant 0 : i32
    %c0_i32_0 = arith.constant 0 : i32
    return %c0_i32, %arg0 : i32, i32
  }
  func.func @transform_4(%arg0: i32) -> (i32, i32) {
    %c0_i32 = arith.constant 0 : i32
    %c0_i32_0 = arith.constant 0 : i32
    return %arg0, %c0_i32 : i32, i32
  }
  func.func @transform_5(%arg0: i32) -> (i32, i32) {
    %c0_i32 = arith.constant 0 : i32
    %c0_i32_0 = arith.constant 0 : i32
    %c0_i32_1 = arith.constant 0 : i32
    return %c0_i32, %c0_i32_0 : i32, i32
  }
  func.func @transform_6(%arg0: i32) -> (i32, i32) {
    %c0_i32 = arith.constant 0 : i32
    %c0_i32_0 = arith.constant 0 : i32
    %c0_i32_1 = arith.constant 0 : i32
    return %c0_i32, %c0_i32_0 : i32, i32
  }
}

module attributes {stable_mosaic.version = 14 : i64} {
  func.func @_lm_body(%arg0: i32, %arg1: memref<1024x1024xbf16, #tpu.memory_space<vmem>>, %arg2: memref<1024x1024xbf16, #tpu.memory_space<vmem>>, %arg3: memref<1280x1024xf32, #tpu.memory_space<vmem>>, %arg4: memref<1024x1024xf32, #tpu.memory_space<vmem>>, %arg5: memref<1024x1xf32, #tpu.memory_space<vmem>>, %arg6: memref<1024x1xf32, #tpu.memory_space<vmem>>, %arg7: memref<1x1xf32, #tpu.memory_space<vmem>>, %arg8: memref<1x1xf32, #tpu.memory_space<vmem>>, %arg9: memref<1024x1xf32, #tpu.memory_space<vmem>>, %arg10: memref<1024x1xf32, #tpu.memory_space<vmem>>) attributes {dimension_semantics = [#tpu.dimension_semantics<arbitrary>], iteration_bounds = array<i64: 25>, scalar_prefetch = 0 : i64, scratch_operands = 2 : i64, tpu.core_type = #tpu.core_type<tc>, window_params = [{pipeline_mode = #tpu.pipeline_mode<synchronous>, transform_indices = @transform_0, window_bounds = array<i64: 1024, 1024>}, {pipeline_mode = #tpu.pipeline_mode<synchronous>, transform_indices = @transform_1, window_bounds = array<i64: 1024, 1024>}, {transform_indices = @transform_2, window_bounds = array<i64: 1280, 1024>}, {pipeline_mode = #tpu.pipeline_mode<synchronous>, transform_indices = @transform_3, window_bounds = array<i64: 1024, 1024>}, {pipeline_mode = #tpu.pipeline_mode<synchronous>, transform_indices = @transform_4, window_bounds = array<i64: 1024, 1>}, {pipeline_mode = #tpu.pipeline_mode<synchronous>, transform_indices = @transform_5, window_bounds = array<i64: 1024, 1>}, {pipeline_mode = #tpu.pipeline_mode<synchronous>, transform_indices = @transform_6, window_bounds = array<i64: 1, 1>}, {pipeline_mode = #tpu.pipeline_mode<synchronous>, transform_indices = @transform_7, window_bounds = array<i64: 1, 1>}]} {
    %eq3A = arith.constant 0 : i32
    %eq3A_0 = arith.cmpi eq, %arg0, %eq3A : i32
    %convert_element_type3A = arith.extui %eq3A_0 : i1 to i32
    %cond3A = arith.constant 0 : i32
    %cond3A_1 = arith.cmpi ne, %convert_element_type3A, %cond3A : i32
    scf.if %cond3A_1 {
      %broadcast_in_dim3A_28 = arith.constant 0.000000e+00 : f32
      %broadcast_in_dim3A_29 = vector.broadcast %broadcast_in_dim3A_28 : f32 to vector<1024x1xf32>
      %swap3A_30 = arith.constant 0 : index
      %swap3A_31 = arith.constant 0 : index
      %swap3A_32 = vector.load %arg9[%swap3A_30, %swap3A_31] : memref<1024x1xf32, #tpu.memory_space<vmem>>, vector<1024x1xf32>
      tpu.vector_store %arg9[%swap3A_30, %swap3A_31], %broadcast_in_dim3A_29 {strides = array<i32>} : memref<1024x1xf32, #tpu.memory_space<vmem>>, vector<1024x1xf32>,
      %broadcast_in_dim3A_33 = arith.constant -1.000000e+30 : f32
      %broadcast_in_dim3A_34 = vector.broadcast %broadcast_in_dim3A_33 : f32 to vector<1024x1xf32>
      %swap3A_35 = arith.constant 0 : index
      %swap3A_36 = arith.constant 0 : index
      %swap3A_37 = vector.load %arg10[%swap3A_35, %swap3A_36] : memref<1024x1xf32, #tpu.memory_space<vmem>>, vector<1024x1xf32>
      tpu.vector_store %arg10[%swap3A_35, %swap3A_36], %broadcast_in_dim3A_34 {strides = array<i32>} : memref<1024x1xf32, #tpu.memory_space<vmem>>, vector<1024x1xf32>,
    } else {
    }
    %get3A = arith.constant 0 : index
    %get3A_2 = arith.constant 0 : index
    %get3A_3 = vector.load %arg2[%get3A, %get3A_2] : memref<1024x1024xbf16, #tpu.memory_space<vmem>>, vector<1024x1024xbf16>
    %get3A_4 = arith.constant 0 : index
    %get3A_5 = arith.constant 0 : index
    %get3A_6 = vector.load %arg3[%get3A_4, %get3A_5] : memref<1280x1024xf32, #tpu.memory_space<vmem>>, vector<1280x1024xf32>
    %convert_element_type3A_7 = arith.truncf %get3A_6 : vector<1280x1024xf32> to vector<1280x1024xbf16>
    %dot_general3A = arith.constant dense<0.000000e+00> : vector<1024x1280xf32>
    %dot_general3A_8 = tpu.matmul %get3A_3, %convert_element_type3A_7, %dot_general3A {dimension_numbers = #tpu.dot_dimension_numbers<[1], [1], [0], [0], [0, 0, 1, 0], [], []>, transpose_lhs_hint = false} : vector<1024x1024xbf16>, vector<1280x1024xbf16>, vector<1024x1280xf32> -> vector<1024x1280xf32>
    %get3A_9 = arith.constant 0 : index
    %get3A_10 = arith.constant 0 : index
    %get3A_11 = vector.load %arg9[%get3A_9, %get3A_10] : memref<1024x1xf32, #tpu.memory_space<vmem>>, vector<1024x1xf32>
    %exp23A = math.exp2 %dot_general3A_8 : vector<1024x1280xf32>
    %reduce_sum3A = arith.constant dense<0.000000e+00> : vector<1024xf32>
    %reduce_sum3A_12 = vector.multi_reduction <add>, %exp23A, %reduce_sum3A [1] : vector<1024x1280xf32> to vector<1024xf32>
    %broadcast_in_dim3A = vector.shape_cast %reduce_sum3A_12 : vector<1024xf32> to vector<1024x1xf32>
    %add3A = arith.addf %get3A_11, %broadcast_in_dim3A : vector<1024x1xf32>
    %swap3A = arith.constant 0 : index
    %swap3A_13 = arith.constant 0 : index
    %swap3A_14 = vector.load %arg9[%swap3A, %swap3A_13] : memref<1024x1xf32, #tpu.memory_space<vmem>>, vector<1024x1xf32>
    tpu.vector_store %arg9[%swap3A, %swap3A_13], %add3A {strides = array<i32>} : memref<1024x1xf32, #tpu.memory_space<vmem>>, vector<1024x1xf32>,
    %get3A_15 = arith.constant 0 : index
    %get3A_16 = arith.constant 0 : index
    %get3A_17 = vector.load %arg10[%get3A_15, %get3A_16] : memref<1024x1xf32, #tpu.memory_space<vmem>>, vector<1024x1xf32>
    %reduce_max3A = arith.constant dense<0xFF800000> : vector<1024xf32>
    %reduce_max3A_18 = vector.multi_reduction <maximumf>, %dot_general3A_8, %reduce_max3A [1] : vector<1024x1280xf32> to vector<1024xf32>
    %broadcast_in_dim3A_19 = vector.shape_cast %reduce_max3A_18 : vector<1024xf32> to vector<1024x1xf32>
    %max3A = arith.maximumf %get3A_17, %broadcast_in_dim3A_19 : vector<1024x1xf32>
    %swap3A_20 = arith.constant 0 : index
    %swap3A_21 = arith.constant 0 : index
    %swap3A_22 = vector.load %arg10[%swap3A_20, %swap3A_21] : memref<1024x1xf32, #tpu.memory_space<vmem>>, vector<1024x1xf32>
    tpu.vector_store %arg10[%swap3A_20, %swap3A_21], %max3A {strides = array<i32>} : memref<1024x1xf32, #tpu.memory_space<vmem>>, vector<1024x1xf32>,
    %eq3A_23 = arith.constant 24 : i32
    %eq3A_24 = arith.cmpi eq, %arg0, %eq3A_23 : i32
    %convert_element_type3A_25 = arith.extui %eq3A_24 : i1 to i32
    %cond3A_26 = arith.constant 0 : i32
    %cond3A_27 = arith.cmpi ne, %convert_element_type3A_25, %cond3A_26 : i32
    scf.if %cond3A_27 {
      %get3A_28 = arith.constant 0 : index
      %get3A_29 = arith.constant 0 : index
      %get3A_30 = vector.load %arg1[%get3A_28, %get3A_29] : memref<1024x1024xbf16, #tpu.memory_space<vmem>>, vector<1024x1024xbf16>
      %get3A_31 = arith.constant 0 : index
      %get3A_32 = arith.constant 0 : index
      %get3A_33 = vector.load %arg4[%get3A_31, %get3A_32] : memref<1024x1024xf32, #tpu.memory_space<vmem>>, vector<1024x1024xf32>
      %convert_element_type3A_34 = arith.extf %get3A_30 : vector<1024x1024xbf16> to vector<1024x1024xf32>
      %mul3A = arith.mulf %convert_element_type3A_34, %get3A_33 : vector<1024x1024xf32>
      %reduce_sum3A_35 = arith.constant dense<0.000000e+00> : vector<1024xf32>
      %reduce_sum3A_36 = vector.multi_reduction <add>, %mul3A, %reduce_sum3A_35 [1] : vector<1024x1024xf32> to vector<1024xf32>
      %broadcast_in_dim3A_37 = vector.shape_cast %reduce_sum3A_36 : vector<1024xf32> to vector<1024x1xf32>
      %convert_element_type3A_38 = arith.extf %get3A_3 : vector<1024x1024xbf16> to vector<1024x1024xf32>
      %mul3A_39 = arith.mulf %convert_element_type3A_38, %get3A_33 : vector<1024x1024xf32>
      %reduce_sum3A_40 = arith.constant dense<0.000000e+00> : vector<1024xf32>
      %reduce_sum3A_41 = vector.multi_reduction <add>, %mul3A_39, %reduce_sum3A_40 [1] : vector<1024x1024xf32> to vector<1024xf32>
      %broadcast_in_dim3A_42 = vector.shape_cast %reduce_sum3A_41 : vector<1024xf32> to vector<1024x1xf32>
      %get3A_43 = arith.constant 0 : index
      %get3A_44 = arith.constant 0 : index
      %get3A_45 = vector.load %arg9[%get3A_43, %get3A_44] : memref<1024x1xf32, #tpu.memory_space<vmem>>, vector<1024x1xf32>
      %log3A = math.log %get3A_45 : vector<1024x1xf32>
      %sub3A = arith.subf %log3A, %broadcast_in_dim3A_37 : vector<1024x1xf32>
      %get3A_46 = arith.constant 0 : index
      %get3A_47 = arith.constant 0 : index
      %get3A_48 = vector.load %arg5[%get3A_46, %get3A_47] : memref<1024x1xf32, #tpu.memory_space<vmem>>, vector<1024x1xf32>
      %mul3A_49 = arith.mulf %get3A_48, %sub3A : vector<1024x1xf32>
      %reduce_sum3A_50 = vector.shape_cast %mul3A_49 : vector<1024x1xf32> to vector<1x1024x1xf32>
      %reduce_sum3A_51 = arith.constant dense<0.000000e+00> : vector<1xf32>
      %reduce_sum3A_52 = vector.multi_reduction <add>, %reduce_sum3A_50, %reduce_sum3A_51 [1, 2] : vector<1x1024x1xf32> to vector<1xf32>
      %reduce_sum3A_53 = vector.shape_cast %reduce_sum3A_52 : vector<1xf32> to vector<1x1x1xf32>
      %reduce_sum3A_54 = vector.extract %reduce_sum3A_53[0, 0, 0] : f32 from vector<1x1x1xf32>
      %reduce_sum3A_55 = vector.shape_cast %get3A_48 : vector<1024x1xf32> to vector<1x1024x1xf32>
      %reduce_sum3A_56 = arith.constant dense<0.000000e+00> : vector<1xf32>
      %reduce_sum3A_57 = vector.multi_reduction <add>, %reduce_sum3A_55, %reduce_sum3A_56 [1, 2] : vector<1x1024x1xf32> to vector<1xf32>
      %reduce_sum3A_58 = vector.shape_cast %reduce_sum3A_57 : vector<1xf32> to vector<1x1x1xf32>
      %reduce_sum3A_59 = vector.extract %reduce_sum3A_58[0, 0, 0] : f32 from vector<1x1x1xf32>
      %max3A_60 = arith.constant 9.99999997E-7 : f32
      %max3A_61 = arith.maximumf %reduce_sum3A_59, %max3A_60 : f32
      %get3A_62 = arith.constant 0 : index
      %get3A_63 = arith.constant 0 : index
      %get3A_64 = vector.load %arg10[%get3A_62, %get3A_63] : memref<1024x1xf32, #tpu.memory_space<vmem>>, vector<1024x1xf32>
      %sub3A_65 = arith.constant 1.000000e-03 : f32
      %sub3A_66 = vector.broadcast %sub3A_65 : f32 to vector<1024x1xf32>
      %sub3A_67 = arith.subf %get3A_64, %sub3A_66 : vector<1024x1xf32>
      %ge3A = arith.cmpf oge, %broadcast_in_dim3A_42, %sub3A_67 : vector<1024x1xf32>
      %convert_element_type3A_68 = arith.extui %ge3A : vector<1024x1xi1> to vector<1024x1xi32>
      %convert_element_type3A_69 = arith.sitofp %convert_element_type3A_68 : vector<1024x1xi32> to vector<1024x1xf32>
      %get3A_70 = arith.constant 0 : index
      %get3A_71 = arith.constant 0 : index
      %get3A_72 = vector.load %arg6[%get3A_70, %get3A_71] : memref<1024x1xf32, #tpu.memory_space<vmem>>, vector<1024x1xf32>
      %mul3A_73 = arith.mulf %get3A_72, %convert_element_type3A_69 : vector<1024x1xf32>
      %reduce_sum3A_74 = vector.shape_cast %mul3A_73 : vector<1024x1xf32> to vector<1x1024x1xf32>
      %reduce_sum3A_75 = arith.constant dense<0.000000e+00> : vector<1xf32>
      %reduce_sum3A_76 = vector.multi_reduction <add>, %reduce_sum3A_74, %reduce_sum3A_75 [1, 2] : vector<1x1024x1xf32> to vector<1xf32>
      %reduce_sum3A_77 = vector.shape_cast %reduce_sum3A_76 : vector<1xf32> to vector<1x1x1xf32>
      %reduce_sum3A_78 = vector.extract %reduce_sum3A_77[0, 0, 0] : f32 from vector<1x1x1xf32>
      %reduce_sum3A_79 = vector.shape_cast %get3A_72 : vector<1024x1xf32> to vector<1x1024x1xf32>
      %reduce_sum3A_80 = arith.constant dense<0.000000e+00> : vector<1xf32>
      %reduce_sum3A_81 = vector.multi_reduction <add>, %reduce_sum3A_79, %reduce_sum3A_80 [1, 2] : vector<1x1024x1xf32> to vector<1xf32>
      %reduce_sum3A_82 = vector.shape_cast %reduce_sum3A_81 : vector<1xf32> to vector<1x1x1xf32>
      %reduce_sum3A_83 = vector.extract %reduce_sum3A_82[0, 0, 0] : f32 from vector<1x1x1xf32>
      %max3A_84 = arith.constant 1.000000e+00 : f32
      %max3A_85 = arith.maximumf %reduce_sum3A_83, %max3A_84 : f32
      %div3A = arith.divf %reduce_sum3A_54, %max3A_61 : f32
      %reshape3A = vector.broadcast %div3A : f32 to vector<1x1xf32>
      %swap3A_86 = arith.constant 0 : index
      %swap3A_87 = arith.constant 0 : index
      %swap3A_88 = vector.load %arg7[%swap3A_86, %swap3A_87] : memref<1x1xf32, #tpu.memory_space<vmem>>, vector<1x1xf32>
      tpu.vector_store %arg7[%swap3A_86, %swap3A_87], %reshape3A {strides = array<i32>} : memref<1x1xf32, #tpu.memory_space<vmem>>, vector<1x1xf32>,
      %div3A_89 = arith.divf %reduce_sum3A_78, %max3A_85 : f32
      %reshape3A_90 = vector.broadcast %div3A_89 : f32 to vector<1x1xf32>
      %swap3A_91 = arith.constant 0 : index
      %swap3A_92 = arith.constant 0 : index
      %swap3A_93 = vector.load %arg8[%swap3A_91, %swap3A_92] : memref<1x1xf32, #tpu.memory_space<vmem>>, vector<1x1xf32>
      tpu.vector_store %arg8[%swap3A_91, %swap3A_92], %reshape3A_90 {strides = array<i32>} : memref<1x1xf32, #tpu.memory_space<vmem>>, vector<1x1xf32>,
    } else {
    }
    return
  }
  func.func @transform_0(%arg0: i32) -> (i32, i32) {
    %c0_i32 = arith.constant 0 : i32
    %c0_i32_0 = arith.constant 0 : i32
    %c0_i32_1 = arith.constant 0 : i32
    return %c0_i32, %c0_i32_0 : i32, i32
  }
  func.func @transform_1(%arg0: i32) -> (i32, i32) {
    %c0_i32 = arith.constant 0 : i32
    %c0_i32_0 = arith.constant 0 : i32
    %c0_i32_1 = arith.constant 0 : i32
    return %c0_i32, %c0_i32_0 : i32, i32
  }
  func.func @transform_2(%arg0: i32) -> (i32, i32) {
    %c0_i32 = arith.constant 0 : i32
    %c0_i32_0 = arith.constant 0 : i32
    return %arg0, %c0_i32 : i32, i32
  }
  func.func @transform_3(%arg0: i32) -> (i32, i32) {
    %c0_i32 = arith.constant 0 : i32
    %c0_i32_0 = arith.constant 0 : i32
    %c0_i32_1 = arith.constant 0 : i32
    return %c0_i32, %c0_i32_0 : i32, i32
  }
  func.func @transform_4(%arg0: i32) -> (i32, i32) {
    %c0_i32 = arith.constant 0 : i32
    %c0_i32_0 = arith.constant 0 : i32
    %c0_i32_1 = arith.constant 0 : i32
    return %c0_i32, %c0_i32_0 : i32, i32
  }
  func.func @transform_5(%arg0: i32) -> (i32, i32) {
    %c0_i32 = arith.constant 0 : i32
    %c0_i32_0 = arith.constant 0 : i32
    %c0_i32_1 = arith.constant 0 : i32
    return %c0_i32, %c0_i32_0 : i32, i32
  }
  func.func @transform_6(%arg0: i32) -> (i32, i32) {
    %c0_i32 = arith.constant 0 : i32
    %c0_i32_0 = arith.constant 0 : i32
    %c0_i32_1 = arith.constant 0 : i32
    return %c0_i32, %c0_i32_0 : i32, i32
  }
  func.func @transform_7(%arg0: i32) -> (i32, i32) {
    %c0_i32 = arith.constant 0 : i32
    %c0_i32_0 = arith.constant 0 : i32
    %c0_i32_1 = arith.constant 0 : i32
    return %c0_i32, %c0_i32_0 : i32, i32
  }
}

</mosaic_0001>

<sc_bundles>
// kernel: kernel.8.cloned.1.call-start
scs
__scs_entry_jumppad:
0x0: {  	(pc) =	sbr.rel $0x88, $3  }
0x1: {  	(tag) =	ssettag $0x0;
	lr =	simm.s32 $0x1  }
0x2: {  	[smem:$0x3F92] =	sst lr;
	_ =	strace $0xD0000000  }
0x3: {  	_ = 	snop  }
0x4: {  	_ = 	snop  }
0x5: {  	_ = 	snop  }
0x6: {  	_ = 	snop  }
0x7: {  	_ = 	snop  }
__scs_overlays_trampoline_lowered:
0x8: {  	[smem:$0x3FA1] =	sst s0  }
0x9: {  	[smem:$0x3FA2] =	sst s1  }
0xa: {  	[smem:$0x3FA3] =	sst s2  }
0xb: {  	[smem:$0x3FA4] =	sst s3  }
0xc: {  	[smem:$0x3FA5] =	sst s4  }
0xd: {  	[smem:$0x3FA6] =	sst s5  }
0xe: {  	[smem:$0x3FA7] =	sst s6  }
0xf: {  	[smem:$0x3FA8] =	sst s7  }
0x10: {  	[smem:$0x3FA9] =	sst s8  }
0x11: {  	[smem:$0x3FAA] =	sst s9;
	s0 =	simm.s32 @!p0 $0x0  }
0x12: {  	s1 =	sld [smem:$0x3F90];
	s0 =	simm.s32 @p0 $0x1  }
0x13: {  	[smem:$0x3FAB] =	sst s0;
	s0 =	simm.s32 @!p1 $0x0  }
0x14: {  	s2 =	sld [smem:$0x3F8F];
	s0 =	simm.s32 @p1 $0x1  }
0x15: {  	[smem:$0x3FAC] =	sst s0;
	s0 =	simm.s32 @!p2 $0x0  }
0x16: {  	s3 =	sld [smem:$0x3FDB];
	s0 =	simm.s32 @p2 $0x1  }
0x17: {  	s4 =	simm.s32 $0x1BF5;
	[smem:$0x3FAE] =	sst s0  }
0x18: {  	s0 =	sld [smem:$0x3F91];
	_ =	swait.ge [sflag:s4], $0x0  }
0x19: {  	s7 =	sld [smem:$0x3F92]  }
0x1a: {  	s8 =	sadd.s32 $0xFFFFE003, lr  }
0x1b: {  	s9 =	sadd.s32 $0xFFFFFEF7, lr;
	s5 =	simm.s32 $0xFFFFFFFF;
	p2 =	slt.u32 s8, $0xFFFFF086  }
0x1c: {  	p1 =	slt.u32 s9, $0xF7A;
	s5 =	simm.s32 @!p2 $0x0  }
0x1d: {  	s5 =	simm.s32 @p1 $0x1;
	p0 =	seq.s32 s7, s2  }
0x1e: {  	s7 =	smul.u32 @!p0 $0xF7A, s2;
	p2 =	seq.s32 @!p0 s5, $0x0  }
0x1f: {  	s9 =	smul.u32 $0xF7A, s1;
	s8 =	simm.s32 @!p0 $0x1BF5;
	p2 =	por !p2, p0  }
0x20: {  	[sflag:s8] =	ssyncset.s32 @!p0 $0xFFFFF086;
	s6 =	sadd.s32 @!p0 s3, s7;
	s7 =	simm.s32 @!p0 $0x108  }
0x21: {  	s3 =	sadd.s32 s3, s9;
	s6 =	sadd.s32 @!p0 $0x88, s6;
	s7 =	simm.s32 @p2 $0x1082  }
0x22: {  	[simem:s7], [sflag:s8] =	dma.local @!p0 [hbm:s6], $0xF7A  }
0x23: {  	s9 =	sor.u32 $0xD0000000, s2;
	s6 =	simm.s32 $0x108;
	_ =	swait.ge @!p0 [sflag:s8], $0x0  }
0x24: {  	s3 =	sadd.s32 $0x88, s3;
	s6 =	simm.s32 @!p1 $0x1082;
	[sflag:s4] =	ssyncset.s32 $0xFFFFF086  }
0x25: {  	[simem:s6], [sflag:s4] =	dma.local [hbm:s3], $0xF7A  }
0x26: {  	[smem:$0x3F92] =	sst s1;
	(tag) =	ssettag s2;
	_ =	strace s9  }
0x27: {  	s1 =	sld [smem:$0x3FA2]  }
0x28: {  	s2 =	sld [smem:$0x3FA3]  }
0x29: {  	s4 =	sld [smem:$0x3FA5]  }
0x2a: {  	p0 =	seq.s32 s5, $0x0;
	s5 =	sld [smem:$0x3FA6]  }
0x2b: {  	s6 =	sld [smem:$0x3FA7]  }
0x2c: {  	s7 =	sld [smem:$0x3FA8]  }
0x2d: {  	s3 =	simm.s32 $0x108;
	s8 =	sld [smem:$0x3FA9]  }
0x2e: {  	s3 =	simm.s32 @!p0 $0x1082;
	s9 =	sld [smem:$0x3FAA]  }
0x2f: {  	lr =	sadd.s32 s0, s3;
	s0 =	sld [smem:$0x3FA1]  }
0x30: {  	s3 =	sld [smem:$0x3FA4]  }
0x31: {  	[smem:$0x3FAD] =	sst s10  }
0x32: {  	s10 =	sld [smem:$0x3FAB];
	_ =	sdelay $0x3  }
0x33: {  	p0 =	seq.s32 s10, $0x1;
	s10 =	sld [smem:$0x3FAD];
	_ =	sdelay $0x3  }
0x34: {  	[smem:$0x3FAD] =	sst s10  }
0x35: {  	s10 =	sld [smem:$0x3FAC];
	_ =	sdelay $0x3  }
0x36: {  	p1 =	seq.s32 s10, $0x1;
	s10 =	sld [smem:$0x3FAD];
	_ =	sdelay $0x3  }
0x37: {  	[smem:$0x3FAD] =	sst s10  }
0x38: {  	s10 =	sld [smem:$0x3FAE]  }
0x39: {  	_ = 	snop;
	(pc) =	sbr.ind lr, $3  }
0x3a: {  	_ = 	snop  }
0x3b: {  	_ = 	snop  }
0x3c: {  	p2 =	seq.s32 s10, $0x1;
	s10 =	sld [smem:$0x3FAD]  }
0x3d: {  	_ =	shalt  }
0x3e: {  	_ =	shalt  }
0x3f: {  	_ =	shalt  }
0x40: {  	_ =	shalt  }
0x41: {  	_ =	shalt  }
0x42: {  	_ =	shalt  }
0x43: {  	_ =	shalt  }
0x44: {  	_ =	shalt  }
0x45: {  	_ =	shalt  }
0x46: {  	_ =	shalt  }
0x47: {  	_ =	shalt  }
0x48: {  	_ =	shalt  }
0x49: {  	_ =	shalt  }
0x4a: {  	_ =	shalt  }
0x4b: {  	_ =	shalt  }
0x4c: {  	_ =	shalt  }
0x4d: {  	_ =	shalt  }
0x4e: {  	_ =	shalt  }
0x4f: {  	_ =	shalt  }
0x50: {  	_ =	shalt  }
0x51: {  	_ =	shalt  }
0x52: {  	_ =	shalt  }
0x53: {  	_ =	shalt  }
0x54: {  	_ =	shalt  }
0x55: {  	_ =	shalt  }
0x56: {  	_ =	shalt  }
0x57: {  	_ =	shalt  }
0x58: {  	_ =	shalt  }
0x59: {  	_ =	shalt  }
0x5a: {  	_ =	shalt  }
0x5b: {  	_ =	shalt  }
0x5c: {  	_ =	shalt  }
0x5d: {  	_ =	shalt  }
0x5e: {  	_ =	shalt  }
0x5f: {  	_ =	shalt  }
0x60: {  	_ =	shalt  }
0x61: {  	_ =	shalt  }
0x62: {  	_ =	shalt  }
0x63: {  	_ =	shalt  }
0x64: {  	_ =	shalt  }
0x65: {  	_ =	shalt  }
0x66: {  	_ =	shalt  }
0x67: {  	_ =	shalt  }
0x68: {  	_ =	shalt  }
0x69: {  	_ =	shalt  }
0x6a: {  	_ =	shalt  }
0x6b: {  	_ =	shalt  }
0x6c: {  	_ =	shalt  }
0x6d: {  	_ =	shalt  }
0x6e: {  	_ =	shalt  }
0x6f: {  	_ =	shalt  }
0x70: {  	_ =	shalt  }
0x71: {  	_ =	shalt  }
0x72: {  	_ =	shalt  }
0x73: {  	_ =	shalt  }
0x74: {  	_ =	shalt  }
0x75: {  	_ =	shalt  }
0x76: {  	_ =	shalt  }
0x77: {  	_ =	shalt  }
0x78: {  	_ =	shalt  }
0x79: {  	_ =	shalt  }
0x7a: {  	_ =	shalt  }
0x7b: {  	_ =	shalt  }
0x7c: {  	_ =	shalt  }
0x7d: {  	_ =	shalt  }
0x7e: {  	_ =	shalt  }
0x7f: {  	_ =	shalt  }
0x80: {  	_ =	shalt  }
0x81: {  	_ =	shalt  }
0x82: {  	_ =	shalt  }
0x83: {  	_ =	shalt  }
0x84: {  	_ =	shalt  }
0x85: {  	_ =	shalt  }
0x86: {  	_ =	shalt  }
0x87: {  	_ =	shalt  }
.Lfunc_end0:
.L_simem_size_0:
called_computation_lowered:
.L_overlay_start_0:
0x88: {  	s2 =	sld [smem:$0x3FD9]  }
0x89: {  	s3 =	sld [smem:$0x3FFE];
	_ =	sdelay $0x1  }
0x8a: {  	s1 =	srdreg.scid  }
0x8b: {  	s0 =	sand.u32 $0x1, s1  }
0x8c: {  	s17 =	sshll.u32 s0, $0xA;
	s2 =	sadd.s32 s3, s2  }
0x8d: {  	s2 =	sadd.s32 s2, s17  }
0x8e: {  	[smem:$0x3FB9] =	sst s2  }
0x8f: {  	_ = 	snop  }
0x90: {  	s2 =	sld [smem:$0x3FC4]  }
0x91: {  	s18 =	sld [smem:$0x3FC2];
	(tm) =	ssettm $0x1  }
0x92: {  	s4 =	sld [smem:$0x3FFB];
	_ =	sdelay $0x3  }
0x93: {  	_ =	strace s4  }
0x94: {  	s4 =	sld [smem:$0x3FFC];
	_ =	sdelay $0x3  }
0x95: {  	_ =	strace s4  }
0x96: {  	s4 =	sld [smem:$0x3FFD];
	_ =	sdelay $0x3  }
0x97: {  	_ =	strace s4  }
0x98: {  	_ =	strace $0x8FFFFFFF  }
0x99: {  	s19 =	sld [smem:$0x3FDB];
	_ =	sdelay $0x1  }
0x9a: {  	s5 =	simm.s32 $_scs_section_size  }
0x9b: {  	s6 =	simm.s32 $_size__tile_overlayer_lowered;
	s7 =	simm.s32 $_tile_overlayer_lowered  }
0x9c: {  	s22 =	simm.s32 $0x1BFF;
	s21 =	sshll.u32 s7, $0x1;
	s4 =	sadd.s32 s5, s19  }
0x9d: {  	s8 =	simm.s32 $0x0;
	s20 =	sshll.u32 s6, $0x1;
	s6 =	sadd.s32 s21, s4  }
0x9e: {  	[timem:s8], [sflag:s22] =	dma.local [hbm:s6], s20  }
0x9f: {  	_ =	swait.ge [sflag:s22], s20  }
0xa0: {  	s5 =	ssub.s32 $0x0, s20;
	[sflag:s22] =	ssyncset.done $0x0  }
0xa1: {  	[sflag:s22] =	ssyncadd.s32 s5;
	_ =	sdelay $0x1  }
0xa2: {  	s23 =	simm.s32 $0x1B8B  }
0xa3: {  	_ =	swait.ge [sflag:s23], $0x1  }
0xa4: {  	[sflag:s23] =	ssyncset.done $0x0  }
0xa5: {  	s25 =	simm.s32 $0x1B8E;
	s24 =	sld [smem:$0x3FFE];
	[sflag:s23] =	ssyncadd.s32 $0xFFFFFFFF  }
0xa6: {  	s26 =	simm.s32 $execute0_lowered;
	[smem:$0x3FD2] =	sst s25  }
0xa7: {  	s6 =	sshll.u32 s26, $0x1;
	_ =	strace $0x80000046;
	[dreg:$0x1] =	wrdreg $0xFFFFFFFF  }
0xa8: {  	s28 =	simm.s32 $_size_execute0_lowered;
	s4 =	sadd.s32 s4, s6;
	[dreg:$0x0] =	wrdreg $0x0  }
0xa9: {  	s6 =	sshll.u32 s28, $0x1;
	[dreg:$0x2] =	wrdreg s4  }
0xaa: {  	[dreg:$0x3] =	wrdreg s6  }
0xab: {  	[dreg:$0x4] =	wrdreg $0xC0  }
0xac: {  	_ =	task [dreg:s8], $0x5FFFF  }
0xad: {  	[dreg:$0x1] =	wrdreg $0xFFFFFFFF  }
0xae: {  	[dreg:$0x0] =	wrdreg $0x60  }
0xaf: {  	[dreg:$0x2] =	wrdreg s18  }
0xb0: {  	[dreg:$0x3] =	wrdreg s2  }
0xb1: {  	[dreg:$0x4] =	wrdreg s24  }
0xb2: {  	[dreg:$0x5] =	wrdreg $0x9  }
0xb3: {  	_ =	task.clear_ibuf [dreg:s8], $0x6FFFF;
	_ =	strace $0x90000046  }
0xb4: {  	s29 =	simm.s32 $0x9;
	_ =	strace $0x80000048  }
0xb5: {  	_ =	swait.ge [sflag:s29], $0x1  }
0xb6: {  	[sflag:s29] =	ssyncadd.s32 $0xFFFFFFFF  }
0xb7: {  	_ =	strace $0x90000048  }
0xb8: {  	_ =	sfence  }
0xb9: {  	s30 =	sld [smem:$0x0];
	_ =	sdelay $0x2  }
0xba: {  	s31 =	sshll.u32 s1, $0xD;
	s1 =	sshrl.u32 s1, $0x2  }
0xbb: {  	s3 =	sand.u32 $0x4000, s31;
	s1 =	sadd.s32 s1, s30  }
0xbc: {  	s0 =	sor.u32 s3, s0;
	s1 =	sshll.u32 s1, $0x11  }
0xbd: {  	s0 =	sor.u32 s1, s0  }
0xbe: {  	s0 =	sadd.s32 $0x8F2B, s0  }
0xbf: {  	[sflag:s0] =	ssyncadd.remote.s32 $0x1  }
0xc0: {  	_ =	sfence.sel $0xFFFF  }
0xc1: {  	[dreg:$0x0] =	wrdreg $0xFFFFFFFF;
	(pc) =	sbr.abs _section_cstart, $3  }
0xc2: {  	[dreg:$0x1] =	wrdreg $0xFFFFFFFF  }
0xc3: {  	_ =	task.clear_ibuf [dreg:s8], $0x2FFFF;
	_ =	strace $0x9FFFFFFF  }
0xc4: {  	(tm) =	ssettm $0x7FFFFFFF  }
0xc5: {  	_ =	shalt  }
tec
execute0_lowered:
.L_overlay_start_1:
0x0: {  	(tag) =	ssettag $0x1  }
0x1: {  	s2 =	srdreg.scid  }
0x2: {  	s1 =	rddreg [dreg:$0x0];
	s0 =	stileid.u32;
	s2 =	sand.u32 $0x1, s2  }
0x3: {  	s3 =	rddreg [dreg:$0x1];
	s4 =	sshll.u32 s0, $0x6;
	s5 =	sshll.u32 s2, $0x5  }
0x4: {  	s6 =	rddreg [dreg:$0x2];
	s5 =	sor.u32 s5, s4;
	s4 =	simm.s32 $0x0  }
0x5: {  	s14 =	simm.s32 $0x8080;
	s15 =	simm.s32 $0x880;
	[smem:$0x7FF] =	sst s4  }
0x6: {  	s16 =	simm.s32 $0x1080;
	_ =	strace $0x80000047;
	[dreg:$0x8] =	wrdreg s14  }
0x7: {  	s17 =	simm.s32 $0x1880;
	s18 =	simm.s32 $0x2080;
	[dreg:$0x9] =	wrdreg s15  }
0x8: {  	s19 =	simm.s32 $0x2880;
	s20 =	simm.s32 $0x3080;
	[dreg:$0xa] =	wrdreg s16  }
0x9: {  	s22 =	simm.s32 $0x3880;
	s23 =	simm.s32 $0x4080;
	[dreg:$0xb] =	wrdreg s17  }
0xa: {  	s24 =	simm.s32 $0x4880;
	s25 =	simm.s32 $0x5080;
	[dreg:$0xc] =	wrdreg s18  }
0xb: {  	s9 =	simm.s32 $0x5880;
	s10 =	simm.s32 $0x6080;
	[dreg:$0xd] =	wrdreg s19  }
0xc: {  	s11 =	simm.s32 $0x6880;
	s26 =	simm.s32 $0x7880;
	[dreg:$0xe] =	wrdreg s20  }
0xd: {  	s28 =	simm.s32 $0xE900;
	s29 =	simm.s32 $0xF100;
	[dreg:$0xf] =	wrdreg s22  }
0xe: {  	s30 =	simm.s32 $0xF900;
	s2 =	ssub.s32 $0x2, s2;
	[dreg:$0x10] =	wrdreg s23  }
0xf: {  	s31 =	simm.s32 $0x1;
	s21 =	sshrl.u32 s2, $0x1;
	[dreg:$0x11] =	wrdreg s24  }
0x10: {  	s7 =	sshrl.u32 s5, $0x3;
	s5 =	sshll.u32 s5, $0x7;
	[dreg:$0x12] =	wrdreg s25  }
0x11: {  	s2 =	ssub.s32 s2, s21;
	s21 =	simm.s32 $0xB900;
	[dreg:$0x13] =	wrdreg s9  }
0x12: {  	s7 =	sadd.s32 s7, s6;
	s5 =	sadd.s32 s5, s6;
	[dreg:$0x14] =	wrdreg s10  }
0x13: {  	s6 =	sadd.s32 $0x200, s1;
	s9 =	sadd.s32 $0x200, s3;
	[dreg:$0x15] =	wrdreg s11  }
0x14: {  	s10 =	sadd.s32 $0x300, s3;
	s11 =	smax.u32 s2, $0x1;
	[dreg:$0x17] =	wrdreg s26  }
0x15: {  	s14 =	simm.s32 $0x8100;
	s16 =	simm.s32 $0x9100;
	s17 =	simm.s32 $0x9900  }
0x16: {  	s18 =	simm.s32 $0xA100;
	s19 =	simm.s32 $0xA900;
	s20 =	simm.s32 $0xB100  }
0x17: {  	s22 =	simm.s32 $0xC100;
	s23 =	simm.s32 $0xC900;
	s8 =	sadd.s32 $0xE00, s7  }
0x18: {  	s24 =	simm.s32 $0xD100;
	s12 =	sadd.s32 $0xC00, s7;
	[dreg:$0x4] =	wrdreg s8  }
0x19: {  	s25 =	simm.s32 $0xD900;
	s13 =	sadd.s32 $0x1000, s5;
	[dreg:$0x5] =	wrdreg s12  }
0x1a: {  	s26 =	simm.s32 $0xE100;
	s5 =	sadd.s32 $0x21000, s5;
	[dreg:$0x6] =	wrdreg s13  }
0x1b: {  	v2 =	vlaneseq.u32;
	s2 =	simm.s32 $0x2;
	s7 =	sadd.s32 $0x300, s1;
	[dreg:$0x7] =	wrdreg s5  }
0x1c: {  	vm0 =	vmmov $0xffff;
	v1 =	vshrl.u32 v2, $0x3;
	s5 =	sadd.s32 $0x100, s1;
	s8 =	sadd.s32 $0x100, s3;
	s12 =	simm.s32 $0x7080  }
0x1d: {  	v0 =	vand.u32 $0x7, v2;
	v2 =	vor.u32 $0x8, v2;
	v1 =	vmul.u32 $0x8, v1;
	s13 =	simm.s32 $0x80;
	[dreg:$0x16] =	wrdreg s12;
	s12 =	simm.s32 $0x3  }
.LBB2_1:
0x1e: {  	s0 =	rddreg [dreg:$0x4]  }
0x1f: {  	[tilespmem:s4], [sflag:$0x3] =	stream.linear.gather [hbm4b:s0+s4], $0x20, $0x38;
	[tilespmem:$0x10100] =	vst v63  }
0x20: {  	_ =	swait.ge [sflag:s12], $0x20  }
0x21: {  	s0 =	rddreg [dreg:$0x5];
	[sflag:s12] =	ssyncset.done $0x0  }
0x22: {  	s15 =	rddreg [dreg:$0x8];
	[sflag:s12] =	ssyncadd.s32 $0xFFFFFFE0  }
0x23: {  	[tilespmem:s15], [sflag:$0x3] =	stream.linear.gather [hbm4b:s0+s4], $0x20, $0x38;
	[tilespmem:$0x10100] =	vst v63  }
0x24: {  	_ =	swait.ge [sflag:s12], $0x20  }
0x25: {  	[sflag:s12] =	ssyncset.done $0x0  }
0x26: {  	[sflag:s12] =	ssyncadd.s32 $0xFFFFFFE0  }
0x27: {  	v3 =	vld [tilespmem:$0x0];
	_ =	sdelay $0x4  }
0x28: {  	v4 =	vshll.u32 v3, $0x3  }
0x29: {  	v3 =	vand.u32 $0x7, v3;
	v4 =	vand.u32 $0xFFFFFFC0, v4  }
0x2a: {  	v3 =	vor.u32 v3, v4  }
0x2b: {  	v4 =	vperm.xlane v3, v0;
	_ =	sdelay $0x1  }
0x2c: {  	v4 =	vadd.s32 v1, v4;
	_ =	sdelay $0x4  }
0x2d: {  	[tilespmem:s13], [sflag:$0x1] =	stream.indirect_vreg.gather [hbm4b:s1+s4], $0x80, v4, vm0, $0xb8;
	[tilespmem:$0x10100] =	vst v63  }
0x2e: {  	s0 =	rddreg [dreg:$0x9];
	v3 =	vperm.xlane v3, v2  }
0x2f: {  	[tilespmem:s0], [sflag:$0x1] =	stream.indirect_vreg.gather [hbm4b:s5+s4], $0x80, v4, vm0, $0xb8;
	[tilespmem:$0x10100] =	vst v63  }
0x30: {  	s15 =	rddreg [dreg:$0xa];
	v3 =	vadd.s32 v1, v3  }
0x31: {  	[tilespmem:s15], [sflag:$0x1] =	stream.indirect_vreg.gather [hbm4b:s6+s4], $0x80, v4, vm0, $0xb8;
	[tilespmem:$0x10100] =	vst v63  }
0x32: {  	s0 =	rddreg [dreg:$0xb]  }
0x33: {  	[tilespmem:s0], [sflag:$0x1] =	stream.indirect_vreg.gather [hbm4b:s7+s4], $0x80, v4, vm0, $0xb8;
	[tilespmem:$0x10100] =	vst v63  }
0x34: {  	s15 =	rddreg [dreg:$0xc]  }
0x35: {  	[tilespmem:s15], [sflag:$0x1] =	stream.indirect_vreg.gather [hbm4b:s1+s4], $0x80, v3, vm0, $0xb8;
	[tilespmem:$0x10100] =	vst v63  }
0x36: {  	s0 =	rddreg [dreg:$0xd]  }
0x37: {  	[tilespmem:s0], [sflag:$0x1] =	stream.indirect_vreg.gather [hbm4b:s5+s4], $0x80, v3, vm0, $0xb8;
	[tilespmem:$0x10100] =	vst v63  }
0x38: {  	s15 =	rddreg [dreg:$0xe]  }
0x39: {  	[tilespmem:s15], [sflag:$0x1] =	stream.indirect_vreg.gather [hbm4b:s6+s4], $0x80, v3, vm0, $0xb8;
	[tilespmem:$0x10100] =	vst v63  }
0x3a: {  	s0 =	rddreg [dreg:$0xf]  }
0x3b: {  	[tilespmem:s0], [sflag:$0x1] =	stream.indirect_vreg.gather [hbm4b:s7+s4], $0x80, v3, vm0, $0xb8;
	[tilespmem:$0x10100] =	vst v63  }
0x3c: {  	v3 =	vld [tilespmem:$0x10];
	_ =	sdelay $0x4  }
0x3d: {  	v61 =	vshll.u32 v3, $0x3  }
0x3e: {  	v3 =	vand.u32 $0x7, v3;
	v4 =	vand.u32 $0xFFFFFFC0, v61  }
0x3f: {  	v3 =	vor.u32 v3, v4  }
0x40: {  	v4 =	vperm.xlane v3, v0;
	_ =	sdelay $0x1  }
0x41: {  	v4 =	vadd.s32 v1, v4;
	_ =	sdelay $0x3  }
0x42: {  	s0 =	rddreg [dreg:$0x10]  }
0x43: {  	[tilespmem:s0], [sflag:$0x1] =	stream.indirect_vreg.gather [hbm4b:s1+s4], $0x80, v4, vm0, $0xb8;
	[tilespmem:$0x10100] =	vst v63  }
0x44: {  	s15 =	rddreg [dreg:$0x11];
	v3 =	vperm.xlane v3, v2  }
0x45: {  	[tilespmem:s15], [sflag:$0x1] =	stream.indirect_vreg.gather [hbm4b:s5+s4], $0x80, v4, vm0, $0xb8;
	[tilespmem:$0x10100] =	vst v63  }
0x46: {  	v3 =	vadd.s32 v1, v3;
	s0 =	rddreg [dreg:$0x12]  }
0x47: {  	[tilespmem:s0], [sflag:$0x1] =	stream.indirect_vreg.gather [hbm4b:s6+s4], $0x80, v4, vm0, $0xb8;
	[tilespmem:$0x10100] =	vst v63  }
0x48: {  	s15 =	rddreg [dreg:$0x13]  }
0x49: {  	[tilespmem:s15], [sflag:$0x1] =	stream.indirect_vreg.gather [hbm4b:s7+s4], $0x80, v4, vm0, $0xb8;
	[tilespmem:$0x10100] =	vst v63  }
0x4a: {  	s0 =	rddreg [dreg:$0x14]  }
0x4b: {  	[tilespmem:s0], [sflag:$0x1] =	stream.indirect_vreg.gather [hbm4b:s1+s4], $0x80, v3, vm0, $0xb8;
	[tilespmem:$0x10100] =	vst v63  }
0x4c: {  	s15 =	rddreg [dreg:$0x15]  }
0x4d: {  	[tilespmem:s15], [sflag:$0x1] =	stream.indirect_vreg.gather [hbm4b:s5+s4], $0x80, v3, vm0, $0xb8;
	[tilespmem:$0x10100] =	vst v63  }
0x4e: {  	s0 =	rddreg [dreg:$0x16]  }
0x4f: {  	[tilespmem:s0], [sflag:$0x1] =	stream.indirect_vreg.gather [hbm4b:s6+s4], $0x80, v3, vm0, $0xb8;
	[tilespmem:$0x10100] =	vst v63  }
0x50: {  	s15 =	rddreg [dreg:$0x17]  }
0x51: {  	[tilespmem:s15], [sflag:$0x1] =	stream.indirect_vreg.gather [hbm4b:s7+s4], $0x80, v3, vm0, $0xb8;
	[tilespmem:$0x10100] =	vst v63  }
0x52: {  	v3 =	vld [tilespmem:$0x8080];
	_ =	sdelay $0x4  }
0x53: {  	v62 =	vshll.u32 v3, $0x3  }
0x54: {  	v3 =	vand.u32 $0x7, v3;
	v4 =	vand.u32 $0xFFFFFFC0, v62  }
0x55: {  	v3 =	vor.u32 v3, v4  }
0x56: {  	v4 =	vperm.xlane v3, v0;
	_ =	sdelay $0x1  }
0x57: {  	v4 =	vadd.s32 v1, v4;
	_ =	sdelay $0x4  }
0x58: {  	[tilespmem:s14], [sflag:$0x2] =	stream.indirect_vreg.gather [hbm4b:s3+s4], $0x80, v4, vm0, $0xb8;
	[tilespmem:$0x10100] =	vst v63  }
0x59: {  	s15 =	simm.s32 $0x8900;
	v3 =	vperm.xlane v3, v2  }
0x5a: {  	[tilespmem:s15], [sflag:$0x2] =	stream.indirect_vreg.gather [hbm4b:s8+s4], $0x80, v4, vm0, $0xb8;
	[tilespmem:$0x10100] =	vst v63  }
0x5b: {  	v3 =	vadd.s32 v1, v3  }
0x5c: {  	[tilespmem:s16], [sflag:$0x2] =	stream.indirect_vreg.gather [hbm4b:s9+s4], $0x80, v4, vm0, $0xb8;
	[tilespmem:$0x10100] =	vst v63  }
0x5d: {  	_ = 	snop  }
0x5e: {  	[tilespmem:s17], [sflag:$0x2] =	stream.indirect_vreg.gather [hbm4b:s10+s4], $0x80, v4, vm0, $0xb8;
	[tilespmem:$0x10100] =	vst v63  }
0x5f: {  	_ = 	snop  }
0x60: {  	[tilespmem:s18], [sflag:$0x2] =	stream.indirect_vreg.gather [hbm4b:s3+s4], $0x80, v3, vm0, $0xb8;
	[tilespmem:$0x10100] =	vst v63  }
0x61: {  	_ = 	snop  }
0x62: {  	[tilespmem:s19], [sflag:$0x2] =	stream.indirect_vreg.gather [hbm4b:s8+s4], $0x80, v3, vm0, $0xb8;
	[tilespmem:$0x10100] =	vst v63  }
0x63: {  	_ = 	snop  }
0x64: {  	[tilespmem:s20], [sflag:$0x2] =	stream.indirect_vreg.gather [hbm4b:s9+s4], $0x80, v3, vm0, $0xb8;
	[tilespmem:$0x10100] =	vst v63  }
0x65: {  	_ = 	snop  }
0x66: {  	[tilespmem:s21], [sflag:$0x2] =	stream.indirect_vreg.gather [hbm4b:s10+s4], $0x80, v3, vm0, $0xb8;
	[tilespmem:$0x10100] =	vst v63  }
0x67: {  	v3 =	vld [tilespmem:$0x8090];
	_ =	sdelay $0x4  }
0x68: {  	v63 =	vshll.u32 v3, $0x3  }
0x69: {  	v3 =	vand.u32 $0x7, v3;
	v4 =	vand.u32 $0xFFFFFFC0, v63  }
0x6a: {  	v3 =	vor.u32 v3, v4  }
0x6b: {  	v4 =	vperm.xlane v3, v0;
	_ =	sdelay $0x1  }
0x6c: {  	v4 =	vadd.s32 v1, v4;
	_ =	sdelay $0x4  }
0x6d: {  	[tilespmem:s22], [sflag:$0x2] =	stream.indirect_vreg.gather [hbm4b:s3+s4], $0x80, v4, vm0, $0xb8;
	[tilespmem:$0x10100] =	vst v63  }
0x6e: {  	v3 =	vperm.xlane v3, v2  }
0x6f: {  	[tilespmem:s23], [sflag:$0x2] =	stream.indirect_vreg.gather [hbm4b:s8+s4], $0x80, v4, vm0, $0xb8;
	[tilespmem:$0x10100] =	vst v63  }
0x70: {  	v3 =	vadd.s32 v1, v3  }
0x71: {  	[tilespmem:s24], [sflag:$0x2] =	stream.indirect_vreg.gather [hbm4b:s9+s4], $0x80, v4, vm0, $0xb8;
	[tilespmem:$0x10100] =	vst v63  }
0x72: {  	_ = 	snop  }
0x73: {  	[tilespmem:s25], [sflag:$0x2] =	stream.indirect_vreg.gather [hbm4b:s10+s4], $0x80, v4, vm0, $0xb8;
	[tilespmem:$0x10100] =	vst v63  }
0x74: {  	_ = 	snop  }
0x75: {  	[tilespmem:s26], [sflag:$0x2] =	stream.indirect_vreg.gather [hbm4b:s3+s4], $0x80, v3, vm0, $0xb8;
	[tilespmem:$0x10100] =	vst v63  }
0x76: {  	_ = 	snop  }
0x77: {  	[tilespmem:s28], [sflag:$0x2] =	stream.indirect_vreg.gather [hbm4b:s8+s4], $0x80, v3, vm0, $0xb8;
	[tilespmem:$0x10100] =	vst v63  }
0x78: {  	_ = 	snop  }
0x79: {  	[tilespmem:s29], [sflag:$0x2] =	stream.indirect_vreg.gather [hbm4b:s9+s4], $0x80, v3, vm0, $0xb8;
	[tilespmem:$0x10100] =	vst v63  }
0x7a: {  	_ = 	snop  }
0x7b: {  	[tilespmem:s30], [sflag:$0x2] =	stream.indirect_vreg.gather [hbm4b:s10+s4], $0x80, v3, vm0, $0xb8;
	[tilespmem:$0x10100] =	vst v63  }
0x7c: {  	_ =	swait.ge [sflag:s31], $0x8000  }
0x7d: {  	[sflag:s31] =	ssyncset.done $0x0  }
0x7e: {  	[sflag:s31] =	ssyncadd.s32 $0xFFFF8000  }
0x7f: {  	_ =	swait.ge [sflag:s2], $0x8000  }
0x80: {  	[sflag:s2] =	ssyncset.done $0x0  }
0x81: {  	s15 =	rddreg [dreg:$0x6];
	[sflag:s2] =	ssyncadd.s32 $0xFFFF8000  }
0x82: {  	[hbm4b:s15+s4] =	stream.linear.scatter [tilespmem:s13], [sflag:$0x3], $0x8000, $0x38;
	[tilespmem:$0x10100] =	vst v63  }
0x83: {  	_ =	swait.ge [sflag:s12], $0x8000  }
0x84: {  	p0 =	sne.s32 s11, $0x1;
	[sflag:s12] =	ssyncset.done $0x0  }
.Ltmp0:
0x85: {  	s15 =	rddreg [dreg:$0x7];
	[sflag:s12] =	ssyncadd.s32 $0xFFFF8000;
	(pc) =	sbr.rel @p0 .LBB2_1-.Ltmp0, $4  }
0x86: {  	[hbm4b:s15+s4] =	stream.linear.scatter [tilespmem:s14], [sflag:$0x3], $0x8000, $0x38;
	[tilespmem:$0x10100] =	vst v63  }
0x87: {  	_ =	swait.ge [sflag:s12], $0x8000  }
0x88: {  	[sflag:s12] =	ssyncset.done $0x0  }
0x89: {  	s11 =	sadd.s32 $0xFFFFFFFF, s11;
	[sflag:s12] =	ssyncadd.s32 $0xFFFF8000  }
0x8a: {  	_ =	sfence.sel $0x180000  }
0x8b: {  	[bflag:$0x0] =	sbarrier.arrive $0xFFFF  }
0x8c: {  	_ =	strace $0x90000047  }
0x8d: {  	s0 =	stileid.u32;
	[bflag:$0x2] =	sbarrier.arrive $0xFFFF  }
0x8e: {  	p0 =	sne.s32 s0, $0x0;
	s0 =	rddreg [dreg:$0x3]  }
0x8f: {  	s0 =	sadd.s32 @!p0 $0x100000, s0  }
0x90: {  	[sflag:s0] =	ssyncadd.tile.s32 @!p0 $0x1;
	_ =	shalt  }
.Lfunc_end2:
_tile_overlayer_lowered:
.L_overlay_start_2:
0x91: {  	(tag) =	ssettag $0x2  }
0x92: {  	s0 =	rddreg [dreg:$0x0];
	s2 =	stileid.u32  }
0x93: {  	s1 =	rddreg [dreg:$0x1];
	p0 =	sne.s32 s2, $0x0  }
0x94: {  	s3 =	rddreg [dreg:$0x2];
	[bflag:$0x3] =	sbarrier.arrive $0xFFFF;
	s2 =	simm.s32 @!p0 $0x1C03  }
0x95: {  	[timem:s3], [sflag:s2] =	dma.local @!p0 [hbm:s0], s1  }
0x96: {  	s0 =	simm.s32 @!p0 $0x3  }
0x97: {  	_ =	swait.ge @!p0 [sflag:s0], s1  }
0x98: {  	s1 =	ssub.s32 @!p0 $0x0, s1;
	[sflag:s0] =	ssyncset.done @!p0 $0x0  }
0x99: {  	[sflag:s0] =	ssyncadd.s32 @!p0 s1  }
0x9a: {  	[bflag:$0x3] =	sbarrier.arrive $0xFFFF  }
0x9b: {  	_ =	shalt  }

</sc_bundles>
